<compile_context>
chip_gen: v7x
topology: tpu7x:2x2x1
jax: 0.10.2.dev20260603
libtpu: 0.0.44.dev20260713+nightly
codegen_flags: <defaults>
</compile_context>

<pallas_src>
import functools

import jax
import jax.numpy as jnp
from jax import lax
from jax.experimental import pallas as pl
from jax.experimental.pallas import tpu as pltpu
from jax.experimental.pallas import tpu_sc as plsc

N_NODES = 10000
N_PAD = 10240
N_EDGES = 320000
NC = 2
NS = 16
KS = 128
E_PAD = 327680
NCH1 = E_PAD // NS // KS
NCHS = NCH1 // NC
ROWS_PER_TILE = N_PAD // NS
ROW_BLOCK = 2000

_mesh = plsc.VectorSubcoreMesh(core_axis_name="c", subcore_axis_name="s")



def _deg_body(edges_hbm, zeros_hbm, out_hbm, deg_sh, didx, ones_v):
    c = lax.axis_index("c")
    s = lax.axis_index("s")
    w = 640 * s
    pltpu.sync_copy(zeros_hbm.at[pl.ds(w, 640)], deg_sh.at[pl.ds(w, 640)])
    pltpu.sync_copy(edges_hbm.at[1].at[s], didx)
    for i in range(KS // 16):
        ones_v[pl.ds(i * 16, 16)] = jnp.full((16,), 1.0, jnp.float32)
    plsc.subcore_barrier()

    def body(j, carry):
        pltpu.sync_copy(ones_v, deg_sh.at[didx.at[j]], add=True)
        return carry

    lax.fori_loop(0, NCH1, body, 0)
    plsc.subcore_barrier()

    @pl.when(c == 0)
    def _():
        pltpu.sync_copy(deg_sh.at[pl.ds(w, 640)],
                        out_hbm.at[pl.ds(w, 640)])


_deg_kernel = pl.kernel(
    _deg_body,
    out_type=jax.ShapeDtypeStruct((N_PAD,), jnp.float32),
    mesh=_mesh,
    compiler_params=pltpu.CompilerParams(use_tc_tiling_on_sc=False),
    scratch_types=[
        pltpu.VMEM_SHARED((N_PAD,), jnp.float32),
        pltpu.VMEM((NCH1, KS), jnp.int32),
        pltpu.VMEM((KS,), jnp.float32),
    ],
)


NBUF = 5


def _segsum_ring(h_hbm, edges_hbm, zeros_hbm, out_hbm,
                 acc, sidx, didx, rows0, rows1, rows2, rows3, rows4,
                 g0, g1, g2, g3, g4, s0, s1, s2, s3, s4,
                 *, nch, feat_split):
    rows = (rows0, rows1, rows2, rows3, rows4)
    gsem = (g0, g1, g2, g3, g4)
    ssem = (s0, s1, s2, s3, s4)
    c = lax.axis_index("c")
    s = lax.axis_index("s")
    r0 = ROWS_PER_TILE * s
    if feat_split:
        table = h_hbm.at[c]
        my_src = edges_hbm.at[0].at[s]
        my_dst = edges_hbm.at[1].at[s]
    else:
        table = h_hbm
        my_src = edges_hbm.at[0].at[s].at[pl.ds(c * NCHS, NCHS)]
        my_dst = edges_hbm.at[1].at[s].at[pl.ds(c * NCHS, NCHS)]
    pltpu.sync_copy(zeros_hbm, acc.at[pl.ds(r0, ROWS_PER_TILE)])
    pltpu.sync_copy(my_src, sidx)
    pltpu.sync_copy(my_dst, didx)
    plsc.subcore_barrier()
    pltpu.async_copy(table.at[sidx.at[0]], rows0, g0)
    pltpu.async_copy(table.at[sidx.at[1]], rows1, g1)

    def body(t, carry):
        for q in range(NBUF):
            j = NBUF * t + q
            pltpu.make_async_copy(table.at[sidx.at[j]], rows[q],
                                  gsem[q]).wait()
            pltpu.async_copy(rows[q], acc.at[didx.at[j]], ssem[q], add=True)
            q2 = (q + 2) % NBUF
            if q < NBUF - 2:
                @pl.when(t > 0)
                def _():
                    pltpu.make_async_copy(
                        rows[q2], acc.at[didx.at[0]], ssem[q2]).wait()
                pltpu.async_copy(table.at[sidx.at[j + 2]], rows[q2], gsem[q2])
            else:
                @pl.when(j + 2 < nch)
                def _():
                    pltpu.make_async_copy(
                        rows[q2], acc.at[didx.at[0]], ssem[q2]).wait()
                    pltpu.async_copy(table.at[sidx.at[j + 2]], rows[q2],
                                     gsem[q2])
        return carry

    lax.fori_loop(0, nch // NBUF, body, 0)
    for q in range(NBUF):
        pltpu.make_async_copy(rows[q], acc.at[didx.at[0]], ssem[q]).wait()
    plsc.subcore_barrier()
    pltpu.sync_copy(acc.at[pl.ds(r0, ROWS_PER_TILE)],
                    out_hbm.at[c].at[pl.ds(r0, ROWS_PER_TILE)])


def _make_segsum(F, *, feat_split):
    nch = NCH1 if feat_split else NCHS
    body = functools.partial(_segsum_ring, nch=nch, feat_split=feat_split)
    return pl.kernel(
        body,
        out_type=jax.ShapeDtypeStruct((NC, N_PAD, F), jnp.float32),
        mesh=_mesh,
        compiler_params=pltpu.CompilerParams(use_tc_tiling_on_sc=False),
        scratch_types=(
            [pltpu.VMEM_SHARED((N_PAD, F), jnp.float32),
             pltpu.VMEM((nch, KS), jnp.int32),
             pltpu.VMEM((nch, KS), jnp.int32)]
            + [pltpu.VMEM((KS, F), jnp.float32) for _ in range(NBUF)]
            + [pltpu.SemaphoreType.DMA for _ in range(2 * NBUF)]
        ),
    )


_segsum64 = _make_segsum(64, feat_split=True)
_segsum40 = _make_segsum(40, feat_split=False)



def _stage1_body(deg_ref, x_ref, w_ref, h_ref, dinv_ref):
    deg = deg_ref[...]
    dinv = jnp.where(deg > 0, lax.rsqrt(deg), 0.0)
    h = jnp.dot(x_ref[...], w_ref[...], preferred_element_type=jnp.float32)
    h = h * dinv
    h_ref[0] = h[:, :64]
    h_ref[1] = h[:, 64:]
    dinv_ref[...] = dinv


def _stage2_body(a0_ref, a1_ref, dinv_ref, b_ref, w_ref, out_ref):
    dinv = dinv_ref[...]
    a = jnp.concatenate([a0_ref[0], a1_ref[0]], axis=1)
    s = a * dinv + b_ref[...]
    h = jnp.maximum(s, 0.0)
    out_ref[...] = jnp.dot(h, w_ref[...],
                           preferred_element_type=jnp.float32) * dinv


def _stage3_body(a0_ref, a1_ref, dinv_ref, b_ref, out_ref):
    out_ref[...] = ((a0_ref[0] + a1_ref[0]) * dinv_ref[...] + b_ref[...])


def _row_spec(f):
    return pl.BlockSpec((ROW_BLOCK, f), lambda i: (i, 0))


def _half_spec(cidx, f):
    return pl.BlockSpec((1, ROW_BLOCK, f), lambda i, _c=cidx: (_c, i, 0))


def _full_spec(r, f):
    return pl.BlockSpec((r, f), lambda i: (0, 0))


_GRID = (N_NODES // ROW_BLOCK,)

_stage1 = pl.pallas_call(
    _stage1_body,
    grid=_GRID,
    in_specs=[_row_spec(1), _row_spec(128), _full_spec(128, 128)],
    out_specs=[pl.BlockSpec((2, ROW_BLOCK, 64), lambda i: (0, i, 0)),
               _row_spec(1)],
    out_shape=[jax.ShapeDtypeStruct((2, N_PAD, 64), jnp.float32),
               jax.ShapeDtypeStruct((N_NODES, 1), jnp.float32)],
)

_stage2 = pl.pallas_call(
    _stage2_body,
    grid=_GRID,
    in_specs=[_half_spec(0, 64), _half_spec(1, 64), _row_spec(1),
              _full_spec(1, 128), _full_spec(128, 40)],
    out_specs=_row_spec(40),
    out_shape=jax.ShapeDtypeStruct((N_PAD, 40), jnp.float32),
)

_stage3 = pl.pallas_call(
    _stage3_body,
    grid=_GRID,
    in_specs=[_half_spec(0, 40), _half_spec(1, 40), _row_spec(1),
              _full_spec(1, 40)],
    out_specs=_row_spec(40),
    out_shape=jax.ShapeDtypeStruct((N_NODES, 40), jnp.float32),
)



def kernel(x, edge_index, W0, b0, W1, b1):
    pad_row = N_NODES + jnp.arange(E_PAD - N_EDGES, dtype=jnp.int32) % (
        N_PAD - N_NODES)
    pad = jnp.broadcast_to(pad_row, (2, E_PAD - N_EDGES))
    e4 = jnp.concatenate([edge_index, pad], axis=1).reshape(2, NS, NCH1, KS)
    zeros_n = jnp.zeros((N_PAD,), jnp.float32)
    zeros64 = jnp.zeros((ROWS_PER_TILE, 64), jnp.float32)
    zeros40 = jnp.zeros((ROWS_PER_TILE, 40), jnp.float32)

    deg = _deg_kernel(e4, zeros_n).reshape(N_PAD, 1)
    h1p, dinv = _stage1(deg, x, W0.T)
    acc1 = _segsum64(h1p, e4, zeros64)
    h2p = _stage2(acc1, acc1, dinv, b0.reshape(1, 128), W1.T)
    acc2 = _segsum40(h2p, e4, zeros40)
    return _stage3(acc2, acc2, dinv, b1.reshape(1, 40))

# --- scband reference (transcript-rebuilt; emitter-appended) ---
"""Pipeline reference for scband-recon-gnn-10385230922556 (READ-ONLY COPY).

The authoritative reference and input builder live on the scoring server;
editing this copy changes nothing except your own understanding.
"""

import jax, jax.numpy as jnp
import numpy as np

N_NODES = 10000
N_EDGES = 320000
F_IN = 128
F_HID = 128
F_OUT = 40


def gcn_conv(x, edge_index):
    # GCN propagation with symmetric degree normalization:
    # out[dst] += x[src] / sqrt(deg[src] * deg[dst])
    N = x.shape[0]
    src = edge_index[0]
    dst = edge_index[1]
    ones = jnp.ones((src.shape[0],), dtype=x.dtype)
    deg = jax.ops.segment_sum(ones, dst, num_segments=N)
    dinv = jnp.where(deg > 0, 1.0 / jnp.sqrt(deg), 0.0)
    w = dinv[src] * dinv[dst]
    msg = x[src] * w[:, None]
    return jax.ops.segment_sum(msg, dst, num_segments=N)


def setup_inputs(seed: int = 0) -> dict:
    key = jax.random.key(seed)
    k1, k2, k3, k4, k5, k6 = jax.random.split(key, 6)
    x = jax.random.normal(k1, (N_NODES, F_IN), dtype=jnp.float32)
    edge_index = jax.random.randint(k2, (2, N_EDGES), 0, N_NODES, dtype=jnp.int32)
    # xavier_uniform with gain=1.414 (as in reset_parameters), zero biases
    def xavier(k, fan_out, fan_in, gain=1.414):
        bound = gain * np.sqrt(6.0 / (fan_in + fan_out))
        return jax.random.uniform(k, (fan_out, fan_in), dtype=jnp.float32, minval=-bound, maxval=bound)
    W0 = xavier(k3, F_HID, F_IN)
    b0 = jnp.zeros((F_HID,), dtype=jnp.float32)
    W1 = xavier(k4, F_OUT, F_HID)
    b1 = jnp.zeros((F_OUT,), dtype=jnp.float32)
    return {"x": x, "edge_index": edge_index, "W0": W0, "b0": b0, "W1": W1, "b1": b1}


def reference(x, edge_index, W0, b0, W1, b1):
    # GNN.forward with num_layers=2, use_mp=True, eval mode (dropout is identity)
    h = x @ W0.T
    h = gcn_conv(h, edge_index)
    h = h + b0
    h = jax.nn.relu(h)
    h = h @ W1.T
    h = gcn_conv(h, edge_index)
    h = h + b1
    return h

if __name__ == "__main__":
    import jax
    _d = setup_inputs()
    print(jax.jit(kernel)(*tuple(_d.values())))

</pallas_src>

<mosaic_0001>
#map = affine_map<(d0, d1) -> (0, 0)>
#map1 = affine_map<(d0, d1) -> (0, 0, 0, 0)>
#map2 = affine_map<(d0, d1) -> (0, 0, 0)>
module attributes {stable_mosaic.version = 14 : i64} {
  func.func @_segsum_ring(%arg0: i32, %arg1: i32, %arg2: memref<10240x40xf32, #tpu.memory_space<hbm>>, %arg3: memref<2x16x160x128xi32, #tpu.memory_space<hbm>>, %arg4: memref<640x40xf32, #tpu.memory_space<hbm>>, %arg5: memref<2x10240x40xf32, #tpu.memory_space<hbm>>, %arg6: memref<10240x40xf32, #tpu.memory_space<vmem_shared>>, %arg7: memref<80x128xi32, #tpu.memory_space<vmem>>, %arg8: memref<80x128xi32, #tpu.memory_space<vmem>>, %arg9: memref<128x40xf32, #tpu.memory_space<vmem>>, %arg10: memref<128x40xf32, #tpu.memory_space<vmem>>, %arg11: memref<128x40xf32, #tpu.memory_space<vmem>>, %arg12: memref<128x40xf32, #tpu.memory_space<vmem>>, %arg13: memref<128x40xf32, #tpu.memory_space<vmem>>, %arg14: memref<!tpu.dma_semaphore, #tpu.memory_space<semaphore_mem>>, %arg15: memref<!tpu.dma_semaphore, #tpu.memory_space<semaphore_mem>>, %arg16: memref<!tpu.dma_semaphore, #tpu.memory_space<semaphore_mem>>, %arg17: memref<!tpu.dma_semaphore, #tpu.memory_space<semaphore_mem>>, %arg18: memref<!tpu.dma_semaphore, #tpu.memory_space<semaphore_mem>>, %arg19: memref<!tpu.dma_semaphore, #tpu.memory_space<semaphore_mem>>, %arg20: memref<!tpu.dma_semaphore, #tpu.memory_space<semaphore_mem>>, %arg21: memref<!tpu.dma_semaphore, #tpu.memory_space<semaphore_mem>>, %arg22: memref<!tpu.dma_semaphore, #tpu.memory_space<semaphore_mem>>, %arg23: memref<!tpu.dma_semaphore, #tpu.memory_space<semaphore_mem>>) attributes {dimension_semantics = [#tpu.dimension_semantics<core_parallel>, #tpu.dimension_semantics<subcore_parallel>], iteration_bounds = array<i64: 2, 16>, scalar_prefetch = 0 : i64, scratch_operands = 18 : i64, tpu.core_type = #tpu.core_type<sc_vector_subcore>, window_params = [{transform_indices = #map}, {transform_indices = #map1}, {transform_indices = #map}, {transform_indices = #map2}]} {
    %mul3A = arith.constant 640 : i32
    %mul3A_0 = arith.muli %mul3A, %arg1 : i32
    %mul3A_1 = arith.constant 80 : i32
    %mul3A_2 = arith.muli %arg0, %mul3A_1 : i32
    %mul3A_3 = arith.constant 80 : i32
    %mul3A_4 = arith.muli %arg0, %mul3A_3 : i32
    "tpu.region"() ({
      %run_scoped3A_59 = tpu.sem_alloc : memref<!tpu.dma_semaphore, #tpu.memory_space<semaphore_mem>>
      %dma_start3A_60 = arith.constant 0 : i32
      %dma_start3A_61 = tpu.memref_slice %arg6[%mul3A_0, %dma_start3A_60] : memref<10240x40xf32, #tpu.memory_space<vmem_shared>> -> memref<640x40xf32, #tpu.memory_space<vmem_shared>>
      tpu.enqueue_dma source(%arg4 : memref<640x40xf32, #tpu.memory_space<hbm>>) target(%dma_start3A_61 : memref<640x40xf32, #tpu.memory_space<vmem_shared>>) target_semaphore(%run_scoped3A_59 : memref<!tpu.dma_semaphore, #tpu.memory_space<semaphore_mem>>)
      %dma_wait3A_62 = arith.constant 0 : i32
      %dma_wait3A_63 = tpu.memref_slice %arg6[%mul3A_0, %dma_wait3A_62] : memref<10240x40xf32, #tpu.memory_space<vmem_shared>> -> memref<640x40xf32, #tpu.memory_space<vmem_shared>>
      tpu.wait_dma2 semaphore(%run_scoped3A_59 : memref<!tpu.dma_semaphore, #tpu.memory_space<semaphore_mem>>) src(%arg4 : memref<640x40xf32, #tpu.memory_space<hbm>>) dst(%dma_wait3A_63 : memref<640x40xf32, #tpu.memory_space<vmem_shared>>)
      tpu.yield
    }) : () -> ()
    %run_scoped3A = arith.constant 0 : i32
    "tpu.region"() ({
      %run_scoped3A_59 = tpu.sem_alloc : memref<!tpu.dma_semaphore, #tpu.memory_space<semaphore_mem>>
      %dma_start3A_60 = arith.constant 0 : i32
      %dma_start3A_61 = arith.constant 0 : i32
      %dma_start3A_62 = arith.constant 0 : i32
      %dma_start3A_63 = tpu.memref_slice %arg3[%run_scoped3A, %dma_start3A_60, %dma_start3A_61, %dma_start3A_62] : memref<2x16x160x128xi32, #tpu.memory_space<hbm>> -> memref<1x16x160x128xi32, #tpu.memory_space<hbm>>
      %dma_start3A_64 = tpu.memref_squeeze %dma_start3A_63 : memref<1x16x160x128xi32, #tpu.memory_space<hbm>> -> memref<16x160x128xi32, #tpu.memory_space<hbm>>
      %dma_start3A_65 = arith.constant 0 : i32
      %dma_start3A_66 = arith.constant 0 : i32
      %dma_start3A_67 = tpu.memref_slice %dma_start3A_64[%arg1, %dma_start3A_65, %dma_start3A_66] : memref<16x160x128xi32, #tpu.memory_space<hbm>> -> memref<1x160x128xi32, #tpu.memory_space<hbm>>
      %dma_start3A_68 = tpu.memref_squeeze %dma_start3A_67 : memref<1x160x128xi32, #tpu.memory_space<hbm>> -> memref<160x128xi32, #tpu.memory_space<hbm>>
      %dma_start3A_69 = arith.constant 0 : i32
      %dma_start3A_70 = tpu.memref_slice %dma_start3A_68[%mul3A_2, %dma_start3A_69] : memref<160x128xi32, #tpu.memory_space<hbm>> -> memref<80x128xi32, #tpu.memory_space<hbm>>
      %dma_start3A_71 = arith.constant 0 : i32
      %dma_start3A_72 = arith.constant 0 : i32
      %dma_start3A_73 = arith.constant 0 : i32
      %dma_start3A_74 = tpu.memref_slice %arg3[%run_scoped3A, %dma_start3A_71, %dma_start3A_72, %dma_start3A_73] : memref<2x16x160x128xi32, #tpu.memory_space<hbm>> -> memref<1x16x160x128xi32, #tpu.memory_space<hbm>>
      %dma_start3A_75 = tpu.memref_squeeze %dma_start3A_74 : memref<1x16x160x128xi32, #tpu.memory_space<hbm>> -> memref<16x160x128xi32, #tpu.memory_space<hbm>>
      %dma_start3A_76 = arith.constant 0 : i32
      %dma_start3A_77 = arith.constant 0 : i32
      %dma_start3A_78 = tpu.memref_slice %dma_start3A_75[%arg1, %dma_start3A_76, %dma_start3A_77] : memref<16x160x128xi32, #tpu.memory_space<hbm>> -> memref<1x160x128xi32, #tpu.memory_space<hbm>>
      %dma_start3A_79 = tpu.memref_squeeze %dma_start3A_78 : memref<1x160x128xi32, #tpu.memory_space<hbm>> -> memref<160x128xi32, #tpu.memory_space<hbm>>
      %dma_start3A_80 = arith.constant 0 : i32
      %dma_start3A_81 = tpu.memref_slice %dma_start3A_79[%mul3A_2, %dma_start3A_80] : memref<160x128xi32, #tpu.memory_space<hbm>> -> memref<80x128xi32, #tpu.memory_space<hbm>>
      tpu.enqueue_dma source(%dma_start3A_81 : memref<80x128xi32, #tpu.memory_space<hbm>>) target(%arg7 : memref<80x128xi32, #tpu.memory_space<vmem>>) target_semaphore(%run_scoped3A_59 : memref<!tpu.dma_semaphore, #tpu.memory_space<semaphore_mem>>)
      %dma_wait3A_82 = arith.constant 0 : i32
      %dma_wait3A_83 = arith.constant 0 : i32
      %dma_wait3A_84 = arith.constant 0 : i32
      %dma_wait3A_85 = tpu.memref_slice %arg3[%run_scoped3A, %dma_wait3A_82, %dma_wait3A_83, %dma_wait3A_84] : memref<2x16x160x128xi32, #tpu.memory_space<hbm>> -> memref<1x16x160x128xi32, #tpu.memory_space<hbm>>
      %dma_wait3A_86 = tpu.memref_squeeze %dma_wait3A_85 : memref<1x16x160x128xi32, #tpu.memory_space<hbm>> -> memref<16x160x128xi32, #tpu.memory_space<hbm>>
      %dma_wait3A_87 = arith.constant 0 : i32
      %dma_wait3A_88 = arith.constant 0 : i32
      %dma_wait3A_89 = tpu.memref_slice %dma_wait3A_86[%arg1, %dma_wait3A_87, %dma_wait3A_88] : memref<16x160x128xi32, #tpu.memory_space<hbm>> -> memref<1x160x128xi32, #tpu.memory_space<hbm>>
      %dma_wait3A_90 = tpu.memref_squeeze %dma_wait3A_89 : memref<1x160x128xi32, #tpu.memory_space<hbm>> -> memref<160x128xi32, #tpu.memory_space<hbm>>
      %dma_wait3A_91 = arith.constant 0 : i32
      %dma_wait3A_92 = tpu.memref_slice %dma_wait3A_90[%mul3A_2, %dma_wait3A_91] : memref<160x128xi32, #tpu.memory_space<hbm>> -> memref<80x128xi32, #tpu.memory_space<hbm>>
      %dma_wait3A_93 = arith.constant 0 : i32
      %dma_wait3A_94 = arith.constant 0 : i32
      %dma_wait3A_95 = arith.constant 0 : i32
      %dma_wait3A_96 = tpu.memref_slice %arg3[%run_scoped3A, %dma_wait3A_93, %dma_wait3A_94, %dma_wait3A_95] : memref<2x16x160x128xi32, #tpu.memory_space<hbm>> -> memref<1x16x160x128xi32, #tpu.memory_space<hbm>>
      %dma_wait3A_97 = tpu.memref_squeeze %dma_wait3A_96 : memref<1x16x160x128xi32, #tpu.memory_space<hbm>> -> memref<16x160x128xi32, #tpu.memory_space<hbm>>
      %dma_wait3A_98 = arith.constant 0 : i32
      %dma_wait3A_99 = arith.constant 0 : i32
      %dma_wait3A_100 = tpu.memref_slice %dma_wait3A_97[%arg1, %dma_wait3A_98, %dma_wait3A_99] : memref<16x160x128xi32, #tpu.memory_space<hbm>> -> memref<1x160x128xi32, #tpu.memory_space<hbm>>
      %dma_wait3A_101 = tpu.memref_squeeze %dma_wait3A_100 : memref<1x160x128xi32, #tpu.memory_space<hbm>> -> memref<160x128xi32, #tpu.memory_space<hbm>>
      %dma_wait3A_102 = arith.constant 0 : i32
      %dma_wait3A_103 = tpu.memref_slice %dma_wait3A_101[%mul3A_2, %dma_wait3A_102] : memref<160x128xi32, #tpu.memory_space<hbm>> -> memref<80x128xi32, #tpu.memory_space<hbm>>
      tpu.wait_dma2 semaphore(%run_scoped3A_59 : memref<!tpu.dma_semaphore, #tpu.memory_space<semaphore_mem>>) src(%dma_wait3A_103 : memref<80x128xi32, #tpu.memory_space<hbm>>) dst(%arg7 : memref<80x128xi32, #tpu.memory_space<vmem>>)
      tpu.yield
    }) : () -> ()
    %run_scoped3A_5 = arith.constant 1 : i32
    "tpu.region"() ({
      %run_scoped3A_59 = tpu.sem_alloc : memref<!tpu.dma_semaphore, #tpu.memory_space<semaphore_mem>>
      %dma_start3A_60 = arith.constant 0 : i32
      %dma_start3A_61 = arith.constant 0 : i32
      %dma_start3A_62 = arith.constant 0 : i32
      %dma_start3A_63 = tpu.memref_slice %arg3[%run_scoped3A_5, %dma_start3A_60, %dma_start3A_61, %dma_start3A_62] : memref<2x16x160x128xi32, #tpu.memory_space<hbm>> -> memref<1x16x160x128xi32, #tpu.memory_space<hbm>>
      %dma_start3A_64 = tpu.memref_squeeze %dma_start3A_63 : memref<1x16x160x128xi32, #tpu.memory_space<hbm>> -> memref<16x160x128xi32, #tpu.memory_space<hbm>>
      %dma_start3A_65 = arith.constant 0 : i32
      %dma_start3A_66 = arith.constant 0 : i32
      %dma_start3A_67 = tpu.memref_slice %dma_start3A_64[%arg1, %dma_start3A_65, %dma_start3A_66] : memref<16x160x128xi32, #tpu.memory_space<hbm>> -> memref<1x160x128xi32, #tpu.memory_space<hbm>>
      %dma_start3A_68 = tpu.memref_squeeze %dma_start3A_67 : memref<1x160x128xi32, #tpu.memory_space<hbm>> -> memref<160x128xi32, #tpu.memory_space<hbm>>
      %dma_start3A_69 = arith.constant 0 : i32
      %dma_start3A_70 = tpu.memref_slice %dma_start3A_68[%mul3A_4, %dma_start3A_69] : memref<160x128xi32, #tpu.memory_space<hbm>> -> memref<80x128xi32, #tpu.memory_space<hbm>>
      %dma_start3A_71 = arith.constant 0 : i32
      %dma_start3A_72 = arith.constant 0 : i32
      %dma_start3A_73 = arith.constant 0 : i32
      %dma_start3A_74 = tpu.memref_slice %arg3[%run_scoped3A_5, %dma_start3A_71, %dma_start3A_72, %dma_start3A_73] : memref<2x16x160x128xi32, #tpu.memory_space<hbm>> -> memref<1x16x160x128xi32, #tpu.memory_space<hbm>>
      %dma_start3A_75 = tpu.memref_squeeze %dma_start3A_74 : memref<1x16x160x128xi32, #tpu.memory_space<hbm>> -> memref<16x160x128xi32, #tpu.memory_space<hbm>>
      %dma_start3A_76 = arith.constant 0 : i32
      %dma_start3A_77 = arith.constant 0 : i32
      %dma_start3A_78 = tpu.memref_slice %dma_start3A_75[%arg1, %dma_start3A_76, %dma_start3A_77] : memref<16x160x128xi32, #tpu.memory_space<hbm>> -> memref<1x160x128xi32, #tpu.memory_space<hbm>>
      %dma_start3A_79 = tpu.memref_squeeze %dma_start3A_78 : memref<1x160x128xi32, #tpu.memory_space<hbm>> -> memref<160x128xi32, #tpu.memory_space<hbm>>
      %dma_start3A_80 = arith.constant 0 : i32
      %dma_start3A_81 = tpu.memref_slice %dma_start3A_79[%mul3A_4, %dma_start3A_80] : memref<160x128xi32, #tpu.memory_space<hbm>> -> memref<80x128xi32, #tpu.memory_space<hbm>>
      tpu.enqueue_dma source(%dma_start3A_81 : memref<80x128xi32, #tpu.memory_space<hbm>>) target(%arg8 : memref<80x128xi32, #tpu.memory_space<vmem>>) target_semaphore(%run_scoped3A_59 : memref<!tpu.dma_semaphore, #tpu.memory_space<semaphore_mem>>)
      %dma_wait3A_82 = arith.constant 0 : i32
      %dma_wait3A_83 = arith.constant 0 : i32
      %dma_wait3A_84 = arith.constant 0 : i32
      %dma_wait3A_85 = tpu.memref_slice %arg3[%run_scoped3A_5, %dma_wait3A_82, %dma_wait3A_83, %dma_wait3A_84] : memref<2x16x160x128xi32, #tpu.memory_space<hbm>> -> memref<1x16x160x128xi32, #tpu.memory_space<hbm>>
      %dma_wait3A_86 = tpu.memref_squeeze %dma_wait3A_85 : memref<1x16x160x128xi32, #tpu.memory_space<hbm>> -> memref<16x160x128xi32, #tpu.memory_space<hbm>>
      %dma_wait3A_87 = arith.constant 0 : i32
      %dma_wait3A_88 = arith.constant 0 : i32
      %dma_wait3A_89 = tpu.memref_slice %dma_wait3A_86[%arg1, %dma_wait3A_87, %dma_wait3A_88] : memref<16x160x128xi32, #tpu.memory_space<hbm>> -> memref<1x160x128xi32, #tpu.memory_space<hbm>>
      %dma_wait3A_90 = tpu.memref_squeeze %dma_wait3A_89 : memref<1x160x128xi32, #tpu.memory_space<hbm>> -> memref<160x128xi32, #tpu.memory_space<hbm>>
      %dma_wait3A_91 = arith.constant 0 : i32
      %dma_wait3A_92 = tpu.memref_slice %dma_wait3A_90[%mul3A_4, %dma_wait3A_91] : memref<160x128xi32, #tpu.memory_space<hbm>> -> memref<80x128xi32, #tpu.memory_space<hbm>>
      %dma_wait3A_93 = arith.constant 0 : i32
      %dma_wait3A_94 = arith.constant 0 : i32
      %dma_wait3A_95 = arith.constant 0 : i32
      %dma_wait3A_96 = tpu.memref_slice %arg3[%run_scoped3A_5, %dma_wait3A_93, %dma_wait3A_94, %dma_wait3A_95] : memref<2x16x160x128xi32, #tpu.memory_space<hbm>> -> memref<1x16x160x128xi32, #tpu.memory_space<hbm>>
      %dma_wait3A_97 = tpu.memref_squeeze %dma_wait3A_96 : memref<1x16x160x128xi32, #tpu.memory_space<hbm>> -> memref<16x160x128xi32, #tpu.memory_space<hbm>>
      %dma_wait3A_98 = arith.constant 0 : i32
      %dma_wait3A_99 = arith.constant 0 : i32
      %dma_wait3A_100 = tpu.memref_slice %dma_wait3A_97[%arg1, %dma_wait3A_98, %dma_wait3A_99] : memref<16x160x128xi32, #tpu.memory_space<hbm>> -> memref<1x160x128xi32, #tpu.memory_space<hbm>>
      %dma_wait3A_101 = tpu.memref_squeeze %dma_wait3A_100 : memref<1x160x128xi32, #tpu.memory_space<hbm>> -> memref<160x128xi32, #tpu.memory_space<hbm>>
      %dma_wait3A_102 = arith.constant 0 : i32
      %dma_wait3A_103 = tpu.memref_slice %dma_wait3A_101[%mul3A_4, %dma_wait3A_102] : memref<160x128xi32, #tpu.memory_space<hbm>> -> memref<80x128xi32, #tpu.memory_space<hbm>>
      tpu.wait_dma2 semaphore(%run_scoped3A_59 : memref<!tpu.dma_semaphore, #tpu.memory_space<semaphore_mem>>) src(%dma_wait3A_103 : memref<80x128xi32, #tpu.memory_space<hbm>>) dst(%arg8 : memref<80x128xi32, #tpu.memory_space<vmem>>)
      tpu.yield
    }) : () -> ()
    %barrier3A = arith.constant 0 : index
    tpu.barrier barrier_id(%barrier3A)
    %dma_start3A = arith.constant 0 : i32
    %dma_start3A_6 = arith.constant 0 : i32
    %dma_start3A_7 = tpu.memref_slice %arg7[%dma_start3A, %dma_start3A_6] : memref<80x128xi32, #tpu.memory_space<vmem>> -> memref<1x128xi32, #tpu.memory_space<vmem>>
    %dma_start3A_8 = tpu.memref_squeeze %dma_start3A_7 : memref<1x128xi32, #tpu.memory_space<vmem>> -> memref<128xi32, #tpu.memory_space<vmem>>
    %dma_start3A_9 = arith.constant 0 : i32
    %dma_start3A_10 = arith.constant 0 : i32
    %dma_start3A_11 = tpu.memref_slice %arg2[%dma_start3A_9, %dma_start3A_10] : memref<10240x40xf32, #tpu.memory_space<hbm>> -> memref<10240x40xf32, #tpu.memory_space<hbm>>
    tpu.enqueue_indirect_dma source(%dma_start3A_11 : memref<10240x40xf32, #tpu.memory_space<hbm>>) target(%arg9 : memref<128x40xf32, #tpu.memory_space<vmem>>) offsets(%dma_start3A_8 : memref<128xi32, #tpu.memory_space<vmem>>) semaphore(%arg14 : memref<!tpu.dma_semaphore, #tpu.memory_space<semaphore_mem>>)
    %dma_start3A_12 = arith.constant 1 : i32
    %dma_start3A_13 = arith.constant 0 : i32
    %dma_start3A_14 = tpu.memref_slice %arg7[%dma_start3A_12, %dma_start3A_13] : memref<80x128xi32, #tpu.memory_space<vmem>> -> memref<1x128xi32, #tpu.memory_space<vmem>>
    %dma_start3A_15 = tpu.memref_squeeze %dma_start3A_14 : memref<1x128xi32, #tpu.memory_space<vmem>> -> memref<128xi32, #tpu.memory_space<vmem>>
    %dma_start3A_16 = arith.constant 0 : i32
    %dma_start3A_17 = arith.constant 0 : i32
    %dma_start3A_18 = tpu.memref_slice %arg2[%dma_start3A_16, %dma_start3A_17] : memref<10240x40xf32, #tpu.memory_space<hbm>> -> memref<10240x40xf32, #tpu.memory_space<hbm>>
    tpu.enqueue_indirect_dma source(%dma_start3A_18 : memref<10240x40xf32, #tpu.memory_space<hbm>>) target(%arg10 : memref<128x40xf32, #tpu.memory_space<vmem>>) offsets(%dma_start3A_15 : memref<128xi32, #tpu.memory_space<vmem>>) semaphore(%arg15 : memref<!tpu.dma_semaphore, #tpu.memory_space<semaphore_mem>>)
    %scan3A = arith.constant 0 : i32
    %scan3A_19 = arith.constant 0 : i32
    %scan3A_20 = arith.constant 16 : i32
    %scan3A_21 = arith.addi %scan3A_19, %scan3A_20 : i32
    %scan3A_22 = arith.constant 1 : i32
    scf.for %scan3A_59 = %scan3A_19 to %scan3A_21 step %scan3A_22  : i32 {
      %mul3A_60 = arith.constant 5 : i32
      %mul3A_61 = arith.muli %mul3A_60, %scan3A_59 : i32
      %add3A = arith.constant 0 : i32
      %add3A_62 = arith.addi %mul3A_61, %add3A : i32
      %dma_wait3A_63 = arith.constant 0 : i32
      %dma_wait3A_64 = tpu.memref_slice %arg7[%add3A_62, %dma_wait3A_63] : memref<80x128xi32, #tpu.memory_space<vmem>> -> memref<1x128xi32, #tpu.memory_space<vmem>>
      %dma_wait3A_65 = tpu.memref_squeeze %dma_wait3A_64 : memref<1x128xi32, #tpu.memory_space<vmem>> -> memref<128xi32, #tpu.memory_space<vmem>>
      %dma_wait3A_66 = arith.constant 0 : i32
      %dma_wait3A_67 = arith.constant 0 : i32
      %dma_wait3A_68 = tpu.memref_slice %arg2[%dma_wait3A_66, %dma_wait3A_67] : memref<10240x40xf32, #tpu.memory_space<hbm>> -> memref<10240x40xf32, #tpu.memory_space<hbm>>
      tpu.wait_indirect_dma semaphore(%arg14 : memref<!tpu.dma_semaphore, #tpu.memory_space<semaphore_mem>>) src(%dma_wait3A_68 : memref<10240x40xf32, #tpu.memory_space<hbm>>) dst(%arg9 : memref<128x40xf32, #tpu.memory_space<vmem>>)
      %dma_start3A_69 = arith.constant 0 : i32
      %dma_start3A_70 = tpu.memref_slice %arg8[%add3A_62, %dma_start3A_69] : memref<80x128xi32, #tpu.memory_space<vmem>> -> memref<1x128xi32, #tpu.memory_space<vmem>>
      %dma_start3A_71 = tpu.memref_squeeze %dma_start3A_70 : memref<1x128xi32, #tpu.memory_space<vmem>> -> memref<128xi32, #tpu.memory_space<vmem>>
      %dma_start3A_72 = arith.constant 0 : i32
      %dma_start3A_73 = arith.constant 0 : i32
      %dma_start3A_74 = tpu.memref_slice %arg6[%dma_start3A_72, %dma_start3A_73] : memref<10240x40xf32, #tpu.memory_space<vmem_shared>> -> memref<10240x40xf32, #tpu.memory_space<vmem_shared>>
      tpu.enqueue_indirect_dma source(%arg9 : memref<128x40xf32, #tpu.memory_space<vmem>>) target(%dma_start3A_74 : memref<10240x40xf32, #tpu.memory_space<vmem_shared>>) offsets(%dma_start3A_71 : memref<128xi32, #tpu.memory_space<vmem>>) semaphore(%arg19 : memref<!tpu.dma_semaphore, #tpu.memory_space<semaphore_mem>>) {add = true}
      %gt3A = arith.constant 0 : i32
      %gt3A_75 = arith.cmpi sgt, %scan3A_59, %gt3A : i32
      %convert_element_type3A = arith.extui %gt3A_75 : i1 to i32
      %cond3A = arith.constant 0 : i32
      %cond3A_76 = arith.cmpi ne, %convert_element_type3A, %cond3A : i32
      scf.if %cond3A_76 {
        %dma_wait3A_188 = arith.constant 0 : i32
        %dma_wait3A_189 = arith.constant 0 : i32
        %dma_wait3A_190 = tpu.memref_slice %arg8[%dma_wait3A_188, %dma_wait3A_189] : memref<80x128xi32, #tpu.memory_space<vmem>> -> memref<1x128xi32, #tpu.memory_space<vmem>>
        %dma_wait3A_191 = tpu.memref_squeeze %dma_wait3A_190 : memref<1x128xi32, #tpu.memory_space<vmem>> -> memref<128xi32, #tpu.memory_space<vmem>>
        %dma_wait3A_192 = arith.constant 0 : i32
        %dma_wait3A_193 = arith.constant 0 : i32
        %dma_wait3A_194 = tpu.memref_slice %arg6[%dma_wait3A_192, %dma_wait3A_193] : memref<10240x40xf32, #tpu.memory_space<vmem_shared>> -> memref<10240x40xf32, #tpu.memory_space<vmem_shared>>
        tpu.wait_indirect_dma semaphore(%arg21 : memref<!tpu.dma_semaphore, #tpu.memory_space<semaphore_mem>>) src(%arg11 : memref<128x40xf32, #tpu.memory_space<vmem>>) dst(%dma_wait3A_194 : memref<10240x40xf32, #tpu.memory_space<vmem_shared>>)
      } else {
      }
      %add3A_77 = arith.constant 2 : i32
      %add3A_78 = arith.addi %add3A_62, %add3A_77 : i32
      %dma_start3A_79 = arith.constant 0 : i32
      %dma_start3A_80 = tpu.memref_slice %arg7[%add3A_78, %dma_start3A_79] : memref<80x128xi32, #tpu.memory_space<vmem>> -> memref<1x128xi32, #tpu.memory_space<vmem>>
      %dma_start3A_81 = tpu.memref_squeeze %dma_start3A_80 : memref<1x128xi32, #tpu.memory_space<vmem>> -> memref<128xi32, #tpu.memory_space<vmem>>
      %dma_start3A_82 = arith.constant 0 : i32
      %dma_start3A_83 = arith.constant 0 : i32
      %dma_start3A_84 = tpu.memref_slice %arg2[%dma_start3A_82, %dma_start3A_83] : memref<10240x40xf32, #tpu.memory_space<hbm>> -> memref<10240x40xf32, #tpu.memory_space<hbm>>
      tpu.enqueue_indirect_dma source(%dma_start3A_84 : memref<10240x40xf32, #tpu.memory_space<hbm>>) target(%arg11 : memref<128x40xf32, #tpu.memory_space<vmem>>) offsets(%dma_start3A_81 : memref<128xi32, #tpu.memory_space<vmem>>) semaphore(%arg16 : memref<!tpu.dma_semaphore, #tpu.memory_space<semaphore_mem>>)
      %mul3A_85 = arith.constant 5 : i32
      %mul3A_86 = arith.muli %mul3A_85, %scan3A_59 : i32
      %add3A_87 = arith.constant 1 : i32
      %add3A_88 = arith.addi %mul3A_86, %add3A_87 : i32
      %dma_wait3A_89 = arith.constant 0 : i32
      %dma_wait3A_90 = tpu.memref_slice %arg7[%add3A_88, %dma_wait3A_89] : memref<80x128xi32, #tpu.memory_space<vmem>> -> memref<1x128xi32, #tpu.memory_space<vmem>>
      %dma_wait3A_91 = tpu.memref_squeeze %dma_wait3A_90 : memref<1x128xi32, #tpu.memory_space<vmem>> -> memref<128xi32, #tpu.memory_space<vmem>>
      %dma_wait3A_92 = arith.constant 0 : i32
      %dma_wait3A_93 = arith.constant 0 : i32
      %dma_wait3A_94 = tpu.memref_slice %arg2[%dma_wait3A_92, %dma_wait3A_93] : memref<10240x40xf32, #tpu.memory_space<hbm>> -> memref<10240x40xf32, #tpu.memory_space<hbm>>
      tpu.wait_indirect_dma semaphore(%arg15 : memref<!tpu.dma_semaphore, #tpu.memory_space<semaphore_mem>>) src(%dma_wait3A_94 : memref<10240x40xf32, #tpu.memory_space<hbm>>) dst(%arg10 : memref<128x40xf32, #tpu.memory_space<vmem>>)
      %dma_start3A_95 = arith.constant 0 : i32
      %dma_start3A_96 = tpu.memref_slice %arg8[%add3A_88, %dma_start3A_95] : memref<80x128xi32, #tpu.memory_space<vmem>> -> memref<1x128xi32, #tpu.memory_space<vmem>>
      %dma_start3A_97 = tpu.memref_squeeze %dma_start3A_96 : memref<1x128xi32, #tpu.memory_space<vmem>> -> memref<128xi32, #tpu.memory_space<vmem>>
      %dma_start3A_98 = arith.constant 0 : i32
      %dma_start3A_99 = arith.constant 0 : i32
      %dma_start3A_100 = tpu.memref_slice %arg6[%dma_start3A_98, %dma_start3A_99] : memref<10240x40xf32, #tpu.memory_space<vmem_shared>> -> memref<10240x40xf32, #tpu.memory_space<vmem_shared>>
      tpu.enqueue_indirect_dma source(%arg10 : memref<128x40xf32, #tpu.memory_space<vmem>>) target(%dma_start3A_100 : memref<10240x40xf32, #tpu.memory_space<vmem_shared>>) offsets(%dma_start3A_97 : memref<128xi32, #tpu.memory_space<vmem>>) semaphore(%arg20 : memref<!tpu.dma_semaphore, #tpu.memory_space<semaphore_mem>>) {add = true}
      %gt3A_101 = arith.constant 0 : i32
      %gt3A_102 = arith.cmpi sgt, %scan3A_59, %gt3A_101 : i32
      %convert_element_type3A_103 = arith.extui %gt3A_102 : i1 to i32
      %cond3A_104 = arith.constant 0 : i32
      %cond3A_105 = arith.cmpi ne, %convert_element_type3A_103, %cond3A_104 : i32
      scf.if %cond3A_105 {
        %dma_wait3A_188 = arith.constant 0 : i32
        %dma_wait3A_189 = arith.constant 0 : i32
        %dma_wait3A_190 = tpu.memref_slice %arg8[%dma_wait3A_188, %dma_wait3A_189] : memref<80x128xi32, #tpu.memory_space<vmem>> -> memref<1x128xi32, #tpu.memory_space<vmem>>
        %dma_wait3A_191 = tpu.memref_squeeze %dma_wait3A_190 : memref<1x128xi32, #tpu.memory_space<vmem>> -> memref<128xi32, #tpu.memory_space<vmem>>
        %dma_wait3A_192 = arith.constant 0 : i32
        %dma_wait3A_193 = arith.constant 0 : i32
        %dma_wait3A_194 = tpu.memref_slice %arg6[%dma_wait3A_192, %dma_wait3A_193] : memref<10240x40xf32, #tpu.memory_space<vmem_shared>> -> memref<10240x40xf32, #tpu.memory_space<vmem_shared>>
        tpu.wait_indirect_dma semaphore(%arg22 : memref<!tpu.dma_semaphore, #tpu.memory_space<semaphore_mem>>) src(%arg12 : memref<128x40xf32, #tpu.memory_space<vmem>>) dst(%dma_wait3A_194 : memref<10240x40xf32, #tpu.memory_space<vmem_shared>>)
      } else {
      }
      %add3A_106 = arith.constant 2 : i32
      %add3A_107 = arith.addi %add3A_88, %add3A_106 : i32
      %dma_start3A_108 = arith.constant 0 : i32
      %dma_start3A_109 = tpu.memref_slice %arg7[%add3A_107, %dma_start3A_108] : memref<80x128xi32, #tpu.memory_space<vmem>> -> memref<1x128xi32, #tpu.memory_space<vmem>>
      %dma_start3A_110 = tpu.memref_squeeze %dma_start3A_109 : memref<1x128xi32, #tpu.memory_space<vmem>> -> memref<128xi32, #tpu.memory_space<vmem>>
      %dma_start3A_111 = arith.constant 0 : i32
      %dma_start3A_112 = arith.constant 0 : i32
      %dma_start3A_113 = tpu.memref_slice %arg2[%dma_start3A_111, %dma_start3A_112] : memref<10240x40xf32, #tpu.memory_space<hbm>> -> memref<10240x40xf32, #tpu.memory_space<hbm>>
      tpu.enqueue_indirect_dma source(%dma_start3A_113 : memref<10240x40xf32, #tpu.memory_space<hbm>>) target(%arg12 : memref<128x40xf32, #tpu.memory_space<vmem>>) offsets(%dma_start3A_110 : memref<128xi32, #tpu.memory_space<vmem>>) semaphore(%arg17 : memref<!tpu.dma_semaphore, #tpu.memory_space<semaphore_mem>>)
      %mul3A_114 = arith.constant 5 : i32
      %mul3A_115 = arith.muli %mul3A_114, %scan3A_59 : i32
      %add3A_116 = arith.constant 2 : i32
      %add3A_117 = arith.addi %mul3A_115, %add3A_116 : i32
      %dma_wait3A_118 = arith.constant 0 : i32
      %dma_wait3A_119 = tpu.memref_slice %arg7[%add3A_117, %dma_wait3A_118] : memref<80x128xi32, #tpu.memory_space<vmem>> -> memref<1x128xi32, #tpu.memory_space<vmem>>
      %dma_wait3A_120 = tpu.memref_squeeze %dma_wait3A_119 : memref<1x128xi32, #tpu.memory_space<vmem>> -> memref<128xi32, #tpu.memory_space<vmem>>
      %dma_wait3A_121 = arith.constant 0 : i32
      %dma_wait3A_122 = arith.constant 0 : i32
      %dma_wait3A_123 = tpu.memref_slice %arg2[%dma_wait3A_121, %dma_wait3A_122] : memref<10240x40xf32, #tpu.memory_space<hbm>> -> memref<10240x40xf32, #tpu.memory_space<hbm>>
      tpu.wait_indirect_dma semaphore(%arg16 : memref<!tpu.dma_semaphore, #tpu.memory_space<semaphore_mem>>) src(%dma_wait3A_123 : memref<10240x40xf32, #tpu.memory_space<hbm>>) dst(%arg11 : memref<128x40xf32, #tpu.memory_space<vmem>>)
      %dma_start3A_124 = arith.constant 0 : i32
      %dma_start3A_125 = tpu.memref_slice %arg8[%add3A_117, %dma_start3A_124] : memref<80x128xi32, #tpu.memory_space<vmem>> -> memref<1x128xi32, #tpu.memory_space<vmem>>
      %dma_start3A_126 = tpu.memref_squeeze %dma_start3A_125 : memref<1x128xi32, #tpu.memory_space<vmem>> -> memref<128xi32, #tpu.memory_space<vmem>>
      %dma_start3A_127 = arith.constant 0 : i32
      %dma_start3A_128 = arith.constant 0 : i32
      %dma_start3A_129 = tpu.memref_slice %arg6[%dma_start3A_127, %dma_start3A_128] : memref<10240x40xf32, #tpu.memory_space<vmem_shared>> -> memref<10240x40xf32, #tpu.memory_space<vmem_shared>>
      tpu.enqueue_indirect_dma source(%arg11 : memref<128x40xf32, #tpu.memory_space<vmem>>) target(%dma_start3A_129 : memref<10240x40xf32, #tpu.memory_space<vmem_shared>>) offsets(%dma_start3A_126 : memref<128xi32, #tpu.memory_space<vmem>>) semaphore(%arg21 : memref<!tpu.dma_semaphore, #tpu.memory_space<semaphore_mem>>) {add = true}
      %gt3A_130 = arith.constant 0 : i32
      %gt3A_131 = arith.cmpi sgt, %scan3A_59, %gt3A_130 : i32
      %convert_element_type3A_132 = arith.extui %gt3A_131 : i1 to i32
      %cond3A_133 = arith.constant 0 : i32
      %cond3A_134 = arith.cmpi ne, %convert_element_type3A_132, %cond3A_133 : i32
      scf.if %cond3A_134 {
        %dma_wait3A_188 = arith.constant 0 : i32
        %dma_wait3A_189 = arith.constant 0 : i32
        %dma_wait3A_190 = tpu.memref_slice %arg8[%dma_wait3A_188, %dma_wait3A_189] : memref<80x128xi32, #tpu.memory_space<vmem>> -> memref<1x128xi32, #tpu.memory_space<vmem>>
        %dma_wait3A_191 = tpu.memref_squeeze %dma_wait3A_190 : memref<1x128xi32, #tpu.memory_space<vmem>> -> memref<128xi32, #tpu.memory_space<vmem>>
        %dma_wait3A_192 = arith.constant 0 : i32
        %dma_wait3A_193 = arith.constant 0 : i32
        %dma_wait3A_194 = tpu.memref_slice %arg6[%dma_wait3A_192, %dma_wait3A_193] : memref<10240x40xf32, #tpu.memory_space<vmem_shared>> -> memref<10240x40xf32, #tpu.memory_space<vmem_shared>>
        tpu.wait_indirect_dma semaphore(%arg23 : memref<!tpu.dma_semaphore, #tpu.memory_space<semaphore_mem>>) src(%arg13 : memref<128x40xf32, #tpu.memory_space<vmem>>) dst(%dma_wait3A_194 : memref<10240x40xf32, #tpu.memory_space<vmem_shared>>)
      } else {
      }
      %add3A_135 = arith.constant 2 : i32
      %add3A_136 = arith.addi %add3A_117, %add3A_135 : i32
      %dma_start3A_137 = arith.constant 0 : i32
      %dma_start3A_138 = tpu.memref_slice %arg7[%add3A_136, %dma_start3A_137] : memref<80x128xi32, #tpu.memory_space<vmem>> -> memref<1x128xi32, #tpu.memory_space<vmem>>
      %dma_start3A_139 = tpu.memref_squeeze %dma_start3A_138 : memref<1x128xi32, #tpu.memory_space<vmem>> -> memref<128xi32, #tpu.memory_space<vmem>>
      %dma_start3A_140 = arith.constant 0 : i32
      %dma_start3A_141 = arith.constant 0 : i32
      %dma_start3A_142 = tpu.memref_slice %arg2[%dma_start3A_140, %dma_start3A_141] : memref<10240x40xf32, #tpu.memory_space<hbm>> -> memref<10240x40xf32, #tpu.memory_space<hbm>>
      tpu.enqueue_indirect_dma source(%dma_start3A_142 : memref<10240x40xf32, #tpu.memory_space<hbm>>) target(%arg13 : memref<128x40xf32, #tpu.memory_space<vmem>>) offsets(%dma_start3A_139 : memref<128xi32, #tpu.memory_space<vmem>>) semaphore(%arg18 : memref<!tpu.dma_semaphore, #tpu.memory_space<semaphore_mem>>)
      %mul3A_143 = arith.constant 5 : i32
      %mul3A_144 = arith.muli %mul3A_143, %scan3A_59 : i32
      %add3A_145 = arith.constant 3 : i32
      %add3A_146 = arith.addi %mul3A_144, %add3A_145 : i32
      %dma_wait3A_147 = arith.constant 0 : i32
      %dma_wait3A_148 = tpu.memref_slice %arg7[%add3A_146, %dma_wait3A_147] : memref<80x128xi32, #tpu.memory_space<vmem>> -> memref<1x128xi32, #tpu.memory_space<vmem>>
      %dma_wait3A_149 = tpu.memref_squeeze %dma_wait3A_148 : memref<1x128xi32, #tpu.memory_space<vmem>> -> memref<128xi32, #tpu.memory_space<vmem>>
      %dma_wait3A_150 = arith.constant 0 : i32
      %dma_wait3A_151 = arith.constant 0 : i32
      %dma_wait3A_152 = tpu.memref_slice %arg2[%dma_wait3A_150, %dma_wait3A_151] : memref<10240x40xf32, #tpu.memory_space<hbm>> -> memref<10240x40xf32, #tpu.memory_space<hbm>>
      tpu.wait_indirect_dma semaphore(%arg17 : memref<!tpu.dma_semaphore, #tpu.memory_space<semaphore_mem>>) src(%dma_wait3A_152 : memref<10240x40xf32, #tpu.memory_space<hbm>>) dst(%arg12 : memref<128x40xf32, #tpu.memory_space<vmem>>)
      %dma_start3A_153 = arith.constant 0 : i32
      %dma_start3A_154 = tpu.memref_slice %arg8[%add3A_146, %dma_start3A_153] : memref<80x128xi32, #tpu.memory_space<vmem>> -> memref<1x128xi32, #tpu.memory_space<vmem>>
      %dma_start3A_155 = tpu.memref_squeeze %dma_start3A_154 : memref<1x128xi32, #tpu.memory_space<vmem>> -> memref<128xi32, #tpu.memory_space<vmem>>
      %dma_start3A_156 = arith.constant 0 : i32
      %dma_start3A_157 = arith.constant 0 : i32
      %dma_start3A_158 = tpu.memref_slice %arg6[%dma_start3A_156, %dma_start3A_157] : memref<10240x40xf32, #tpu.memory_space<vmem_shared>> -> memref<10240x40xf32, #tpu.memory_space<vmem_shared>>
      tpu.enqueue_indirect_dma source(%arg12 : memref<128x40xf32, #tpu.memory_space<vmem>>) target(%dma_start3A_158 : memref<10240x40xf32, #tpu.memory_space<vmem_shared>>) offsets(%dma_start3A_155 : memref<128xi32, #tpu.memory_space<vmem>>) semaphore(%arg22 : memref<!tpu.dma_semaphore, #tpu.memory_space<semaphore_mem>>) {add = true}
      %add3A_159 = arith.constant 2 : i32
      %add3A_160 = arith.addi %add3A_146, %add3A_159 : i32
      %lt3A = arith.constant 80 : i32
      %lt3A_161 = arith.cmpi slt, %add3A_160, %lt3A : i32
      %convert_element_type3A_162 = arith.extui %lt3A_161 : i1 to i32
      %cond3A_163 = arith.constant 0 : i32
      %cond3A_164 = arith.cmpi ne, %convert_element_type3A_162, %cond3A_163 : i32
      scf.if %cond3A_164 {
        %dma_wait3A_188 = arith.constant 0 : i32
        %dma_wait3A_189 = arith.constant 0 : i32
        %dma_wait3A_190 = tpu.memref_slice %arg8[%dma_wait3A_188, %dma_wait3A_189] : memref<80x128xi32, #tpu.memory_space<vmem>> -> memref<1x128xi32, #tpu.memory_space<vmem>>
        %dma_wait3A_191 = tpu.memref_squeeze %dma_wait3A_190 : memref<1x128xi32, #tpu.memory_space<vmem>> -> memref<128xi32, #tpu.memory_space<vmem>>
        %dma_wait3A_192 = arith.constant 0 : i32
        %dma_wait3A_193 = arith.constant 0 : i32
        %dma_wait3A_194 = tpu.memref_slice %arg6[%dma_wait3A_192, %dma_wait3A_193] : memref<10240x40xf32, #tpu.memory_space<vmem_shared>> -> memref<10240x40xf32, #tpu.memory_space<vmem_shared>>
        tpu.wait_indirect_dma semaphore(%arg19 : memref<!tpu.dma_semaphore, #tpu.memory_space<semaphore_mem>>) src(%arg9 : memref<128x40xf32, #tpu.memory_space<vmem>>) dst(%dma_wait3A_194 : memref<10240x40xf32, #tpu.memory_space<vmem_shared>>)
        %add3A_195 = arith.constant 2 : i32
        %add3A_196 = arith.addi %add3A_146, %add3A_195 : i32
        %dma_start3A_197 = arith.constant 0 : i32
        %dma_start3A_198 = tpu.memref_slice %arg7[%add3A_196, %dma_start3A_197] : memref<80x128xi32, #tpu.memory_space<vmem>> -> memref<1x128xi32, #tpu.memory_space<vmem>>
        %dma_start3A_199 = tpu.memref_squeeze %dma_start3A_198 : memref<1x128xi32, #tpu.memory_space<vmem>> -> memref<128xi32, #tpu.memory_space<vmem>>
        %dma_start3A_200 = arith.constant 0 : i32
        %dma_start3A_201 = arith.constant 0 : i32
        %dma_start3A_202 = tpu.memref_slice %arg2[%dma_start3A_200, %dma_start3A_201] : memref<10240x40xf32, #tpu.memory_space<hbm>> -> memref<10240x40xf32, #tpu.memory_space<hbm>>
        tpu.enqueue_indirect_dma source(%dma_start3A_202 : memref<10240x40xf32, #tpu.memory_space<hbm>>) target(%arg9 : memref<128x40xf32, #tpu.memory_space<vmem>>) offsets(%dma_start3A_199 : memref<128xi32, #tpu.memory_space<vmem>>) semaphore(%arg14 : memref<!tpu.dma_semaphore, #tpu.memory_space<semaphore_mem>>)
      } else {
      }
      %mul3A_165 = arith.constant 5 : i32
      %mul3A_166 = arith.muli %mul3A_165, %scan3A_59 : i32
      %add3A_167 = arith.constant 4 : i32
      %add3A_168 = arith.addi %mul3A_166, %add3A_167 : i32
      %dma_wait3A_169 = arith.constant 0 : i32
      %dma_wait3A_170 = tpu.memref_slice %arg7[%add3A_168, %dma_wait3A_169] : memref<80x128xi32, #tpu.memory_space<vmem>> -> memref<1x128xi32, #tpu.memory_space<vmem>>
      %dma_wait3A_171 = tpu.memref_squeeze %dma_wait3A_170 : memref<1x128xi32, #tpu.memory_space<vmem>> -> memref<128xi32, #tpu.memory_space<vmem>>
      %dma_wait3A_172 = arith.constant 0 : i32
      %dma_wait3A_173 = arith.constant 0 : i32
      %dma_wait3A_174 = tpu.memref_slice %arg2[%dma_wait3A_172, %dma_wait3A_173] : memref<10240x40xf32, #tpu.memory_space<hbm>> -> memref<10240x40xf32, #tpu.memory_space<hbm>>
      tpu.wait_indirect_dma semaphore(%arg18 : memref<!tpu.dma_semaphore, #tpu.memory_space<semaphore_mem>>) src(%dma_wait3A_174 : memref<10240x40xf32, #tpu.memory_space<hbm>>) dst(%arg13 : memref<128x40xf32, #tpu.memory_space<vmem>>)
      %dma_start3A_175 = arith.constant 0 : i32
      %dma_start3A_176 = tpu.memref_slice %arg8[%add3A_168, %dma_start3A_175] : memref<80x128xi32, #tpu.memory_space<vmem>> -> memref<1x128xi32, #tpu.memory_space<vmem>>
      %dma_start3A_177 = tpu.memref_squeeze %dma_start3A_176 : memref<1x128xi32, #tpu.memory_space<vmem>> -> memref<128xi32, #tpu.memory_space<vmem>>
      %dma_start3A_178 = arith.constant 0 : i32
      %dma_start3A_179 = arith.constant 0 : i32
      %dma_start3A_180 = tpu.memref_slice %arg6[%dma_start3A_178, %dma_start3A_179] : memref<10240x40xf32, #tpu.memory_space<vmem_shared>> -> memref<10240x40xf32, #tpu.memory_space<vmem_shared>>
      tpu.enqueue_indirect_dma source(%arg13 : memref<128x40xf32, #tpu.memory_space<vmem>>) target(%dma_start3A_180 : memref<10240x40xf32, #tpu.memory_space<vmem_shared>>) offsets(%dma_start3A_177 : memref<128xi32, #tpu.memory_space<vmem>>) semaphore(%arg23 : memref<!tpu.dma_semaphore, #tpu.memory_space<semaphore_mem>>) {add = true}
      %add3A_181 = arith.constant 2 : i32
      %add3A_182 = arith.addi %add3A_168, %add3A_181 : i32
      %lt3A_183 = arith.constant 80 : i32
      %lt3A_184 = arith.cmpi slt, %add3A_182, %lt3A_183 : i32
      %convert_element_type3A_185 = arith.extui %lt3A_184 : i1 to i32
      %cond3A_186 = arith.constant 0 : i32
      %cond3A_187 = arith.cmpi ne, %convert_element_type3A_185, %cond3A_186 : i32
      scf.if %cond3A_187 {
        %dma_wait3A_188 = arith.constant 0 : i32
        %dma_wait3A_189 = arith.constant 0 : i32
        %dma_wait3A_190 = tpu.memref_slice %arg8[%dma_wait3A_188, %dma_wait3A_189] : memref<80x128xi32, #tpu.memory_space<vmem>> -> memref<1x128xi32, #tpu.memory_space<vmem>>
        %dma_wait3A_191 = tpu.memref_squeeze %dma_wait3A_190 : memref<1x128xi32, #tpu.memory_space<vmem>> -> memref<128xi32, #tpu.memory_space<vmem>>
        %dma_wait3A_192 = arith.constant 0 : i32
        %dma_wait3A_193 = arith.constant 0 : i32
        %dma_wait3A_194 = tpu.memref_slice %arg6[%dma_wait3A_192, %dma_wait3A_193] : memref<10240x40xf32, #tpu.memory_space<vmem_shared>> -> memref<10240x40xf32, #tpu.memory_space<vmem_shared>>
        tpu.wait_indirect_dma semaphore(%arg20 : memref<!tpu.dma_semaphore, #tpu.memory_space<semaphore_mem>>) src(%arg10 : memref<128x40xf32, #tpu.memory_space<vmem>>) dst(%dma_wait3A_194 : memref<10240x40xf32, #tpu.memory_space<vmem_shared>>)
        %add3A_195 = arith.constant 2 : i32
        %add3A_196 = arith.addi %add3A_168, %add3A_195 : i32
        %dma_start3A_197 = arith.constant 0 : i32
        %dma_start3A_198 = tpu.memref_slice %arg7[%add3A_196, %dma_start3A_197] : memref<80x128xi32, #tpu.memory_space<vmem>> -> memref<1x128xi32, #tpu.memory_space<vmem>>
        %dma_start3A_199 = tpu.memref_squeeze %dma_start3A_198 : memref<1x128xi32, #tpu.memory_space<vmem>> -> memref<128xi32, #tpu.memory_space<vmem>>
        %dma_start3A_200 = arith.constant 0 : i32
        %dma_start3A_201 = arith.constant 0 : i32
        %dma_start3A_202 = tpu.memref_slice %arg2[%dma_start3A_200, %dma_start3A_201] : memref<10240x40xf32, #tpu.memory_space<hbm>> -> memref<10240x40xf32, #tpu.memory_space<hbm>>
        tpu.enqueue_indirect_dma source(%dma_start3A_202 : memref<10240x40xf32, #tpu.memory_space<hbm>>) target(%arg10 : memref<128x40xf32, #tpu.memory_space<vmem>>) offsets(%dma_start3A_199 : memref<128xi32, #tpu.memory_space<vmem>>) semaphore(%arg15 : memref<!tpu.dma_semaphore, #tpu.memory_space<semaphore_mem>>)
      } else {
      }
    }
    %scan3A_23 = arith.constant 16 : i32
    %dma_wait3A = arith.constant 0 : i32
    %dma_wait3A_24 = arith.constant 0 : i32
    %dma_wait3A_25 = tpu.memref_slice %arg8[%dma_wait3A, %dma_wait3A_24] : memref<80x128xi32, #tpu.memory_space<vmem>> -> memref<1x128xi32, #tpu.memory_space<vmem>>
    %dma_wait3A_26 = tpu.memref_squeeze %dma_wait3A_25 : memref<1x128xi32, #tpu.memory_space<vmem>> -> memref<128xi32, #tpu.memory_space<vmem>>
    %dma_wait3A_27 = arith.constant 0 : i32
    %dma_wait3A_28 = arith.constant 0 : i32
    %dma_wait3A_29 = tpu.memref_slice %arg6[%dma_wait3A_27, %dma_wait3A_28] : memref<10240x40xf32, #tpu.memory_space<vmem_shared>> -> memref<10240x40xf32, #tpu.memory_space<vmem_shared>>
    tpu.wait_indirect_dma semaphore(%arg19 : memref<!tpu.dma_semaphore, #tpu.memory_space<semaphore_mem>>) src(%arg9 : memref<128x40xf32, #tpu.memory_space<vmem>>) dst(%dma_wait3A_29 : memref<10240x40xf32, #tpu.memory_space<vmem_shared>>)
    %dma_wait3A_30 = arith.constant 0 : i32
    %dma_wait3A_31 = arith.constant 0 : i32
    %dma_wait3A_32 = tpu.memref_slice %arg8[%dma_wait3A_30, %dma_wait3A_31] : memref<80x128xi32, #tpu.memory_space<vmem>> -> memref<1x128xi32, #tpu.memory_space<vmem>>
    %dma_wait3A_33 = tpu.memref_squeeze %dma_wait3A_32 : memref<1x128xi32, #tpu.memory_space<vmem>> -> memref<128xi32, #tpu.memory_space<vmem>>
    %dma_wait3A_34 = arith.constant 0 : i32
    %dma_wait3A_35 = arith.constant 0 : i32
    %dma_wait3A_36 = tpu.memref_slice %arg6[%dma_wait3A_34, %dma_wait3A_35] : memref<10240x40xf32, #tpu.memory_space<vmem_shared>> -> memref<10240x40xf32, #tpu.memory_space<vmem_shared>>
    tpu.wait_indirect_dma semaphore(%arg20 : memref<!tpu.dma_semaphore, #tpu.memory_space<semaphore_mem>>) src(%arg10 : memref<128x40xf32, #tpu.memory_space<vmem>>) dst(%dma_wait3A_36 : memref<10240x40xf32, #tpu.memory_space<vmem_shared>>)
    %dma_wait3A_37 = arith.constant 0 : i32
    %dma_wait3A_38 = arith.constant 0 : i32
    %dma_wait3A_39 = tpu.memref_slice %arg8[%dma_wait3A_37, %dma_wait3A_38] : memref<80x128xi32, #tpu.memory_space<vmem>> -> memref<1x128xi32, #tpu.memory_space<vmem>>
    %dma_wait3A_40 = tpu.memref_squeeze %dma_wait3A_39 : memref<1x128xi32, #tpu.memory_space<vmem>> -> memref<128xi32, #tpu.memory_space<vmem>>
    %dma_wait3A_41 = arith.constant 0 : i32
    %dma_wait3A_42 = arith.constant 0 : i32
    %dma_wait3A_43 = tpu.memref_slice %arg6[%dma_wait3A_41, %dma_wait3A_42] : memref<10240x40xf32, #tpu.memory_space<vmem_shared>> -> memref<10240x40xf32, #tpu.memory_space<vmem_shared>>
    tpu.wait_indirect_dma semaphore(%arg21 : memref<!tpu.dma_semaphore, #tpu.memory_space<semaphore_mem>>) src(%arg11 : memref<128x40xf32, #tpu.memory_space<vmem>>) dst(%dma_wait3A_43 : memref<10240x40xf32, #tpu.memory_space<vmem_shared>>)
    %dma_wait3A_44 = arith.constant 0 : i32
    %dma_wait3A_45 = arith.constant 0 : i32
    %dma_wait3A_46 = tpu.memref_slice %arg8[%dma_wait3A_44, %dma_wait3A_45] : memref<80x128xi32, #tpu.memory_space<vmem>> -> memref<1x128xi32, #tpu.memory_space<vmem>>
    %dma_wait3A_47 = tpu.memref_squeeze %dma_wait3A_46 : memref<1x128xi32, #tpu.memory_space<vmem>> -> memref<128xi32, #tpu.memory_space<vmem>>
    %dma_wait3A_48 = arith.constant 0 : i32
    %dma_wait3A_49 = arith.constant 0 : i32
    %dma_wait3A_50 = tpu.memref_slice %arg6[%dma_wait3A_48, %dma_wait3A_49] : memref<10240x40xf32, #tpu.memory_space<vmem_shared>> -> memref<10240x40xf32, #tpu.memory_space<vmem_shared>>
    tpu.wait_indirect_dma semaphore(%arg22 : memref<!tpu.dma_semaphore, #tpu.memory_space<semaphore_mem>>) src(%arg12 : memref<128x40xf32, #tpu.memory_space<vmem>>) dst(%dma_wait3A_50 : memref<10240x40xf32, #tpu.memory_space<vmem_shared>>)
    %dma_wait3A_51 = arith.constant 0 : i32
    %dma_wait3A_52 = arith.constant 0 : i32
    %dma_wait3A_53 = tpu.memref_slice %arg8[%dma_wait3A_51, %dma_wait3A_52] : memref<80x128xi32, #tpu.memory_space<vmem>> -> memref<1x128xi32, #tpu.memory_space<vmem>>
    %dma_wait3A_54 = tpu.memref_squeeze %dma_wait3A_53 : memref<1x128xi32, #tpu.memory_space<vmem>> -> memref<128xi32, #tpu.memory_space<vmem>>
    %dma_wait3A_55 = arith.constant 0 : i32
    %dma_wait3A_56 = arith.constant 0 : i32
    %dma_wait3A_57 = tpu.memref_slice %arg6[%dma_wait3A_55, %dma_wait3A_56] : memref<10240x40xf32, #tpu.memory_space<vmem_shared>> -> memref<10240x40xf32, #tpu.memory_space<vmem_shared>>
    tpu.wait_indirect_dma semaphore(%arg23 : memref<!tpu.dma_semaphore, #tpu.memory_space<semaphore_mem>>) src(%arg13 : memref<128x40xf32, #tpu.memory_space<vmem>>) dst(%dma_wait3A_57 : memref<10240x40xf32, #tpu.memory_space<vmem_shared>>)
    %barrier3A_58 = arith.constant 0 : index
    tpu.barrier barrier_id(%barrier3A_58)
    "tpu.region"() ({
      %run_scoped3A_59 = tpu.sem_alloc : memref<!tpu.dma_semaphore, #tpu.memory_space<semaphore_mem>>
      %dma_start3A_60 = arith.constant 0 : i32
      %dma_start3A_61 = arith.constant 0 : i32
      %dma_start3A_62 = tpu.memref_slice %arg5[%arg0, %dma_start3A_60, %dma_start3A_61] : memref<2x10240x40xf32, #tpu.memory_space<hbm>> -> memref<1x10240x40xf32, #tpu.memory_space<hbm>>
      %dma_start3A_63 = tpu.memref_squeeze %dma_start3A_62 : memref<1x10240x40xf32, #tpu.memory_space<hbm>> -> memref<10240x40xf32, #tpu.memory_space<hbm>>
      %dma_start3A_64 = arith.constant 0 : i32
      %dma_start3A_65 = tpu.memref_slice %dma_start3A_63[%mul3A_0, %dma_start3A_64] : memref<10240x40xf32, #tpu.memory_space<hbm>> -> memref<640x40xf32, #tpu.memory_space<hbm>>
      %dma_start3A_66 = arith.constant 0 : i32
      %dma_start3A_67 = tpu.memref_slice %arg6[%mul3A_0, %dma_start3A_66] : memref<10240x40xf32, #tpu.memory_space<vmem_shared>> -> memref<640x40xf32, #tpu.memory_space<vmem_shared>>
      tpu.enqueue_dma source(%dma_start3A_67 : memref<640x40xf32, #tpu.memory_space<vmem_shared>>) target(%dma_start3A_65 : memref<640x40xf32, #tpu.memory_space<hbm>>) target_semaphore(%run_scoped3A_59 : memref<!tpu.dma_semaphore, #tpu.memory_space<semaphore_mem>>)
      %dma_wait3A_68 = arith.constant 0 : i32
      %dma_wait3A_69 = arith.constant 0 : i32
      %dma_wait3A_70 = tpu.memref_slice %arg5[%arg0, %dma_wait3A_68, %dma_wait3A_69] : memref<2x10240x40xf32, #tpu.memory_space<hbm>> -> memref<1x10240x40xf32, #tpu.memory_space<hbm>>
      %dma_wait3A_71 = tpu.memref_squeeze %dma_wait3A_70 : memref<1x10240x40xf32, #tpu.memory_space<hbm>> -> memref<10240x40xf32, #tpu.memory_space<hbm>>
      %dma_wait3A_72 = arith.constant 0 : i32
      %dma_wait3A_73 = tpu.memref_slice %dma_wait3A_71[%mul3A_0, %dma_wait3A_72] : memref<10240x40xf32, #tpu.memory_space<hbm>> -> memref<640x40xf32, #tpu.memory_space<hbm>>
      %dma_wait3A_74 = arith.constant 0 : i32
      %dma_wait3A_75 = tpu.memref_slice %arg6[%mul3A_0, %dma_wait3A_74] : memref<10240x40xf32, #tpu.memory_space<vmem_shared>> -> memref<640x40xf32, #tpu.memory_space<vmem_shared>>
      tpu.wait_dma2 semaphore(%run_scoped3A_59 : memref<!tpu.dma_semaphore, #tpu.memory_space<semaphore_mem>>) src(%dma_wait3A_75 : memref<640x40xf32, #tpu.memory_space<vmem_shared>>) dst(%dma_wait3A_73 : memref<640x40xf32, #tpu.memory_space<hbm>>)
      tpu.yield
    }) : () -> ()
    return
  }
}

#map = affine_map<(d0, d1) -> (0, 0, 0, 0)>
#map1 = affine_map<(d0, d1) -> (0)>
module attributes {stable_mosaic.version = 14 : i64} {
  func.func @_deg_body(%arg0: i32, %arg1: i32, %arg2: memref<2x16x160x128xi32, #tpu.memory_space<hbm>>, %arg3: memref<10240xf32, #tpu.memory_space<hbm>>, %arg4: memref<10240xf32, #tpu.memory_space<hbm>>, %arg5: memref<10240xf32, #tpu.memory_space<vmem_shared>>, %arg6: memref<160x128xi32, #tpu.memory_space<vmem>>, %arg7: memref<128xf32, #tpu.memory_space<vmem>>) attributes {dimension_semantics = [#tpu.dimension_semantics<core_parallel>, #tpu.dimension_semantics<subcore_parallel>], iteration_bounds = array<i64: 2, 16>, scalar_prefetch = 0 : i64, scratch_operands = 3 : i64, tpu.core_type = #tpu.core_type<sc_vector_subcore>, window_params = [{transform_indices = #map}, {transform_indices = #map1}, {transform_indices = #map1}]} {
    %mul3A = arith.constant 640 : i32
    %mul3A_0 = arith.muli %mul3A, %arg1 : i32
    "tpu.region"() ({
      %run_scoped3A_55 = tpu.sem_alloc : memref<!tpu.dma_semaphore, #tpu.memory_space<semaphore_mem>>
      %dma_start3A = tpu.memref_slice %arg5[%mul3A_0] : memref<10240xf32, #tpu.memory_space<vmem_shared>> -> memref<640xf32, #tpu.memory_space<vmem_shared>>
      %dma_start3A_56 = tpu.memref_slice %arg3[%mul3A_0] : memref<10240xf32, #tpu.memory_space<hbm>> -> memref<640xf32, #tpu.memory_space<hbm>>
      tpu.enqueue_dma source(%dma_start3A_56 : memref<640xf32, #tpu.memory_space<hbm>>) target(%dma_start3A : memref<640xf32, #tpu.memory_space<vmem_shared>>) target_semaphore(%run_scoped3A_55 : memref<!tpu.dma_semaphore, #tpu.memory_space<semaphore_mem>>)
      %dma_wait3A = tpu.memref_slice %arg5[%mul3A_0] : memref<10240xf32, #tpu.memory_space<vmem_shared>> -> memref<640xf32, #tpu.memory_space<vmem_shared>>
      %dma_wait3A_57 = tpu.memref_slice %arg3[%mul3A_0] : memref<10240xf32, #tpu.memory_space<hbm>> -> memref<640xf32, #tpu.memory_space<hbm>>
      tpu.wait_dma2 semaphore(%run_scoped3A_55 : memref<!tpu.dma_semaphore, #tpu.memory_space<semaphore_mem>>) src(%dma_wait3A_57 : memref<640xf32, #tpu.memory_space<hbm>>) dst(%dma_wait3A : memref<640xf32, #tpu.memory_space<vmem_shared>>)
      tpu.yield
    }) : () -> ()
    %run_scoped3A = arith.constant 1 : i32
    "tpu.region"() ({
      %run_scoped3A_55 = tpu.sem_alloc : memref<!tpu.dma_semaphore, #tpu.memory_space<semaphore_mem>>
      %dma_start3A = arith.constant 0 : i32
      %dma_start3A_56 = arith.constant 0 : i32
      %dma_start3A_57 = arith.constant 0 : i32
      %dma_start3A_58 = tpu.memref_slice %arg2[%run_scoped3A, %dma_start3A, %dma_start3A_56, %dma_start3A_57] : memref<2x16x160x128xi32, #tpu.memory_space<hbm>> -> memref<1x16x160x128xi32, #tpu.memory_space<hbm>>
      %dma_start3A_59 = tpu.memref_squeeze %dma_start3A_58 : memref<1x16x160x128xi32, #tpu.memory_space<hbm>> -> memref<16x160x128xi32, #tpu.memory_space<hbm>>
      %dma_start3A_60 = arith.constant 0 : i32
      %dma_start3A_61 = arith.constant 0 : i32
      %dma_start3A_62 = tpu.memref_slice %dma_start3A_59[%arg1, %dma_start3A_60, %dma_start3A_61] : memref<16x160x128xi32, #tpu.memory_space<hbm>> -> memref<1x160x128xi32, #tpu.memory_space<hbm>>
      %dma_start3A_63 = tpu.memref_squeeze %dma_start3A_62 : memref<1x160x128xi32, #tpu.memory_space<hbm>> -> memref<160x128xi32, #tpu.memory_space<hbm>>
      %dma_start3A_64 = arith.constant 0 : i32
      %dma_start3A_65 = arith.constant 0 : i32
      %dma_start3A_66 = arith.constant 0 : i32
      %dma_start3A_67 = tpu.memref_slice %arg2[%run_scoped3A, %dma_start3A_64, %dma_start3A_65, %dma_start3A_66] : memref<2x16x160x128xi32, #tpu.memory_space<hbm>> -> memref<1x16x160x128xi32, #tpu.memory_space<hbm>>
      %dma_start3A_68 = tpu.memref_squeeze %dma_start3A_67 : memref<1x16x160x128xi32, #tpu.memory_space<hbm>> -> memref<16x160x128xi32, #tpu.memory_space<hbm>>
      %dma_start3A_69 = arith.constant 0 : i32
      %dma_start3A_70 = arith.constant 0 : i32
      %dma_start3A_71 = tpu.memref_slice %dma_start3A_68[%arg1, %dma_start3A_69, %dma_start3A_70] : memref<16x160x128xi32, #tpu.memory_space<hbm>> -> memref<1x160x128xi32, #tpu.memory_space<hbm>>
      %dma_start3A_72 = tpu.memref_squeeze %dma_start3A_71 : memref<1x160x128xi32, #tpu.memory_space<hbm>> -> memref<160x128xi32, #tpu.memory_space<hbm>>
      tpu.enqueue_dma source(%dma_start3A_72 : memref<160x128xi32, #tpu.memory_space<hbm>>) target(%arg6 : memref<160x128xi32, #tpu.memory_space<vmem>>) target_semaphore(%run_scoped3A_55 : memref<!tpu.dma_semaphore, #tpu.memory_space<semaphore_mem>>)
      %dma_wait3A = arith.constant 0 : i32
      %dma_wait3A_73 = arith.constant 0 : i32
      %dma_wait3A_74 = arith.constant 0 : i32
      %dma_wait3A_75 = tpu.memref_slice %arg2[%run_scoped3A, %dma_wait3A, %dma_wait3A_73, %dma_wait3A_74] : memref<2x16x160x128xi32, #tpu.memory_space<hbm>> -> memref<1x16x160x128xi32, #tpu.memory_space<hbm>>
      %dma_wait3A_76 = tpu.memref_squeeze %dma_wait3A_75 : memref<1x16x160x128xi32, #tpu.memory_space<hbm>> -> memref<16x160x128xi32, #tpu.memory_space<hbm>>
      %dma_wait3A_77 = arith.constant 0 : i32
      %dma_wait3A_78 = arith.constant 0 : i32
      %dma_wait3A_79 = tpu.memref_slice %dma_wait3A_76[%arg1, %dma_wait3A_77, %dma_wait3A_78] : memref<16x160x128xi32, #tpu.memory_space<hbm>> -> memref<1x160x128xi32, #tpu.memory_space<hbm>>
      %dma_wait3A_80 = tpu.memref_squeeze %dma_wait3A_79 : memref<1x160x128xi32, #tpu.memory_space<hbm>> -> memref<160x128xi32, #tpu.memory_space<hbm>>
      %dma_wait3A_81 = arith.constant 0 : i32
      %dma_wait3A_82 = arith.constant 0 : i32
      %dma_wait3A_83 = arith.constant 0 : i32
      %dma_wait3A_84 = tpu.memref_slice %arg2[%run_scoped3A, %dma_wait3A_81, %dma_wait3A_82, %dma_wait3A_83] : memref<2x16x160x128xi32, #tpu.memory_space<hbm>> -> memref<1x16x160x128xi32, #tpu.memory_space<hbm>>
      %dma_wait3A_85 = tpu.memref_squeeze %dma_wait3A_84 : memref<1x16x160x128xi32, #tpu.memory_space<hbm>> -> memref<16x160x128xi32, #tpu.memory_space<hbm>>
      %dma_wait3A_86 = arith.constant 0 : i32
      %dma_wait3A_87 = arith.constant 0 : i32
      %dma_wait3A_88 = tpu.memref_slice %dma_wait3A_85[%arg1, %dma_wait3A_86, %dma_wait3A_87] : memref<16x160x128xi32, #tpu.memory_space<hbm>> -> memref<1x160x128xi32, #tpu.memory_space<hbm>>
      %dma_wait3A_89 = tpu.memref_squeeze %dma_wait3A_88 : memref<1x160x128xi32, #tpu.memory_space<hbm>> -> memref<160x128xi32, #tpu.memory_space<hbm>>
      tpu.wait_dma2 semaphore(%run_scoped3A_55 : memref<!tpu.dma_semaphore, #tpu.memory_space<semaphore_mem>>) src(%dma_wait3A_89 : memref<160x128xi32, #tpu.memory_space<hbm>>) dst(%arg6 : memref<160x128xi32, #tpu.memory_space<vmem>>)
      tpu.yield
    }) : () -> ()
    %broadcast_in_dim3A = arith.constant 1.000000e+00 : f32
    %broadcast_in_dim3A_1 = vector.broadcast %broadcast_in_dim3A : f32 to vector<16xf32>
    %swap3A = arith.constant 0 : index
    %swap3A_2 = tpu.vector_load %arg7[%swap3A] {strides = array<i32>} : memref<128xf32, #tpu.memory_space<vmem>>, vector<16xf32>,
    %swap3A_3 = vector.shape_cast %swap3A_2 : vector<16xf32> to vector<16xf32>
    %swap3A_4 = vector.shape_cast %broadcast_in_dim3A_1 : vector<16xf32> to vector<16xf32>
    tpu.vector_store %arg7[%swap3A], %swap3A_4 {strides = array<i32>} : memref<128xf32, #tpu.memory_space<vmem>>, vector<16xf32>,
    %broadcast_in_dim3A_5 = arith.constant 1.000000e+00 : f32
    %broadcast_in_dim3A_6 = vector.broadcast %broadcast_in_dim3A_5 : f32 to vector<16xf32>
    %swap3A_7 = arith.constant 16 : index
    %swap3A_8 = tpu.vector_load %arg7[%swap3A_7] {strides = array<i32>} : memref<128xf32, #tpu.memory_space<vmem>>, vector<16xf32>,
    %swap3A_9 = vector.shape_cast %swap3A_8 : vector<16xf32> to vector<16xf32>
    %swap3A_10 = vector.shape_cast %broadcast_in_dim3A_6 : vector<16xf32> to vector<16xf32>
    tpu.vector_store %arg7[%swap3A_7], %swap3A_10 {strides = array<i32>} : memref<128xf32, #tpu.memory_space<vmem>>, vector<16xf32>,
    %broadcast_in_dim3A_11 = arith.constant 1.000000e+00 : f32
    %broadcast_in_dim3A_12 = vector.broadcast %broadcast_in_dim3A_11 : f32 to vector<16xf32>
    %swap3A_13 = arith.constant 32 : index
    %swap3A_14 = tpu.vector_load %arg7[%swap3A_13] {strides = array<i32>} : memref<128xf32, #tpu.memory_space<vmem>>, vector<16xf32>,
    %swap3A_15 = vector.shape_cast %swap3A_14 : vector<16xf32> to vector<16xf32>
    %swap3A_16 = vector.shape_cast %broadcast_in_dim3A_12 : vector<16xf32> to vector<16xf32>
    tpu.vector_store %arg7[%swap3A_13], %swap3A_16 {strides = array<i32>} : memref<128xf32, #tpu.memory_space<vmem>>, vector<16xf32>,
    %broadcast_in_dim3A_17 = arith.constant 1.000000e+00 : f32
    %broadcast_in_dim3A_18 = vector.broadcast %broadcast_in_dim3A_17 : f32 to vector<16xf32>
    %swap3A_19 = arith.constant 48 : index
    %swap3A_20 = tpu.vector_load %arg7[%swap3A_19] {strides = array<i32>} : memref<128xf32, #tpu.memory_space<vmem>>, vector<16xf32>,
    %swap3A_21 = vector.shape_cast %swap3A_20 : vector<16xf32> to vector<16xf32>
    %swap3A_22 = vector.shape_cast %broadcast_in_dim3A_18 : vector<16xf32> to vector<16xf32>
    tpu.vector_store %arg7[%swap3A_19], %swap3A_22 {strides = array<i32>} : memref<128xf32, #tpu.memory_space<vmem>>, vector<16xf32>,
    %broadcast_in_dim3A_23 = arith.constant 1.000000e+00 : f32
    %broadcast_in_dim3A_24 = vector.broadcast %broadcast_in_dim3A_23 : f32 to vector<16xf32>
    %swap3A_25 = arith.constant 64 : index
    %swap3A_26 = tpu.vector_load %arg7[%swap3A_25] {strides = array<i32>} : memref<128xf32, #tpu.memory_space<vmem>>, vector<16xf32>,
    %swap3A_27 = vector.shape_cast %swap3A_26 : vector<16xf32> to vector<16xf32>
    %swap3A_28 = vector.shape_cast %broadcast_in_dim3A_24 : vector<16xf32> to vector<16xf32>
    tpu.vector_store %arg7[%swap3A_25], %swap3A_28 {strides = array<i32>} : memref<128xf32, #tpu.memory_space<vmem>>, vector<16xf32>,
    %broadcast_in_dim3A_29 = arith.constant 1.000000e+00 : f32
    %broadcast_in_dim3A_30 = vector.broadcast %broadcast_in_dim3A_29 : f32 to vector<16xf32>
    %swap3A_31 = arith.constant 80 : index
    %swap3A_32 = tpu.vector_load %arg7[%swap3A_31] {strides = array<i32>} : memref<128xf32, #tpu.memory_space<vmem>>, vector<16xf32>,
    %swap3A_33 = vector.shape_cast %swap3A_32 : vector<16xf32> to vector<16xf32>
    %swap3A_34 = vector.shape_cast %broadcast_in_dim3A_30 : vector<16xf32> to vector<16xf32>
    tpu.vector_store %arg7[%swap3A_31], %swap3A_34 {strides = array<i32>} : memref<128xf32, #tpu.memory_space<vmem>>, vector<16xf32>,
    %broadcast_in_dim3A_35 = arith.constant 1.000000e+00 : f32
    %broadcast_in_dim3A_36 = vector.broadcast %broadcast_in_dim3A_35 : f32 to vector<16xf32>
    %swap3A_37 = arith.constant 96 : index
    %swap3A_38 = tpu.vector_load %arg7[%swap3A_37] {strides = array<i32>} : memref<128xf32, #tpu.memory_space<vmem>>, vector<16xf32>,
    %swap3A_39 = vector.shape_cast %swap3A_38 : vector<16xf32> to vector<16xf32>
    %swap3A_40 = vector.shape_cast %broadcast_in_dim3A_36 : vector<16xf32> to vector<16xf32>
    tpu.vector_store %arg7[%swap3A_37], %swap3A_40 {strides = array<i32>} : memref<128xf32, #tpu.memory_space<vmem>>, vector<16xf32>,
    %broadcast_in_dim3A_41 = arith.constant 1.000000e+00 : f32
    %broadcast_in_dim3A_42 = vector.broadcast %broadcast_in_dim3A_41 : f32 to vector<16xf32>
    %swap3A_43 = arith.constant 112 : index
    %swap3A_44 = tpu.vector_load %arg7[%swap3A_43] {strides = array<i32>} : memref<128xf32, #tpu.memory_space<vmem>>, vector<16xf32>,
    %swap3A_45 = vector.shape_cast %swap3A_44 : vector<16xf32> to vector<16xf32>
    %swap3A_46 = vector.shape_cast %broadcast_in_dim3A_42 : vector<16xf32> to vector<16xf32>
    tpu.vector_store %arg7[%swap3A_43], %swap3A_46 {strides = array<i32>} : memref<128xf32, #tpu.memory_space<vmem>>, vector<16xf32>,
    %barrier3A = arith.constant 0 : index
    tpu.barrier barrier_id(%barrier3A)
    %scan3A = arith.constant 0 : i32
    %scan3A_47 = arith.constant 0 : i32
    %scan3A_48 = arith.constant 160 : i32
    %scan3A_49 = arith.addi %scan3A_47, %scan3A_48 : i32
    %scan3A_50 = arith.constant 1 : i32
    scf.for %scan3A_55 = %scan3A_47 to %scan3A_49 step %scan3A_50  : i32 {
      "tpu.region"() ({
        %run_scoped3A_56 = tpu.sem_alloc : memref<!tpu.dma_semaphore, #tpu.memory_space<semaphore_mem>>
        %dma_start3A = arith.constant 0 : i32
        %dma_start3A_57 = tpu.memref_slice %arg6[%scan3A_55, %dma_start3A] : memref<160x128xi32, #tpu.memory_space<vmem>> -> memref<1x128xi32, #tpu.memory_space<vmem>>
        %dma_start3A_58 = tpu.memref_squeeze %dma_start3A_57 : memref<1x128xi32, #tpu.memory_space<vmem>> -> memref<128xi32, #tpu.memory_space<vmem>>
        %dma_start3A_59 = arith.constant 0 : i32
        %dma_start3A_60 = tpu.memref_slice %arg5[%dma_start3A_59] : memref<10240xf32, #tpu.memory_space<vmem_shared>> -> memref<10240xf32, #tpu.memory_space<vmem_shared>>
        tpu.enqueue_indirect_dma source(%arg7 : memref<128xf32, #tpu.memory_space<vmem>>) target(%dma_start3A_60 : memref<10240xf32, #tpu.memory_space<vmem_shared>>) offsets(%dma_start3A_58 : memref<128xi32, #tpu.memory_space<vmem>>) semaphore(%run_scoped3A_56 : memref<!tpu.dma_semaphore, #tpu.memory_space<semaphore_mem>>) {add = true}
        %dma_wait3A = arith.constant 0 : i32
        %dma_wait3A_61 = tpu.memref_slice %arg6[%scan3A_55, %dma_wait3A] : memref<160x128xi32, #tpu.memory_space<vmem>> -> memref<1x128xi32, #tpu.memory_space<vmem>>
        %dma_wait3A_62 = tpu.memref_squeeze %dma_wait3A_61 : memref<1x128xi32, #tpu.memory_space<vmem>> -> memref<128xi32, #tpu.memory_space<vmem>>
        %dma_wait3A_63 = arith.constant 0 : i32
        %dma_wait3A_64 = tpu.memref_slice %arg5[%dma_wait3A_63] : memref<10240xf32, #tpu.memory_space<vmem_shared>> -> memref<10240xf32, #tpu.memory_space<vmem_shared>>
        tpu.wait_indirect_dma semaphore(%run_scoped3A_56 : memref<!tpu.dma_semaphore, #tpu.memory_space<semaphore_mem>>) src(%arg7 : memref<128xf32, #tpu.memory_space<vmem>>) dst(%dma_wait3A_64 : memref<10240xf32, #tpu.memory_space<vmem_shared>>)
        tpu.yield
      }) : () -> ()
    }
    %scan3A_51 = arith.constant 160 : i32
    %barrier3A_52 = arith.constant 0 : index
    tpu.barrier barrier_id(%barrier3A_52)
    %eq3A = arith.constant 0 : i32
    %eq3A_53 = arith.cmpi eq, %arg0, %eq3A : i32
    %convert_element_type3A = arith.extui %eq3A_53 : i1 to i32
    %cond3A = arith.constant 0 : i32
    %cond3A_54 = arith.cmpi ne, %convert_element_type3A, %cond3A : i32
    scf.if %cond3A_54 {
      "tpu.region"() ({
        %run_scoped3A_55 = tpu.sem_alloc : memref<!tpu.dma_semaphore, #tpu.memory_space<semaphore_mem>>
        %dma_start3A = tpu.memref_slice %arg4[%mul3A_0] : memref<10240xf32, #tpu.memory_space<hbm>> -> memref<640xf32, #tpu.memory_space<hbm>>
        %dma_start3A_56 = tpu.memref_slice %arg5[%mul3A_0] : memref<10240xf32, #tpu.memory_space<vmem_shared>> -> memref<640xf32, #tpu.memory_space<vmem_shared>>
        tpu.enqueue_dma source(%dma_start3A_56 : memref<640xf32, #tpu.memory_space<vmem_shared>>) target(%dma_start3A : memref<640xf32, #tpu.memory_space<hbm>>) target_semaphore(%run_scoped3A_55 : memref<!tpu.dma_semaphore, #tpu.memory_space<semaphore_mem>>)
        %dma_wait3A = tpu.memref_slice %arg4[%mul3A_0] : memref<10240xf32, #tpu.memory_space<hbm>> -> memref<640xf32, #tpu.memory_space<hbm>>
        %dma_wait3A_57 = tpu.memref_slice %arg5[%mul3A_0] : memref<10240xf32, #tpu.memory_space<vmem_shared>> -> memref<640xf32, #tpu.memory_space<vmem_shared>>
        tpu.wait_dma2 semaphore(%run_scoped3A_55 : memref<!tpu.dma_semaphore, #tpu.memory_space<semaphore_mem>>) src(%dma_wait3A_57 : memref<640xf32, #tpu.memory_space<vmem_shared>>) dst(%dma_wait3A : memref<640xf32, #tpu.memory_space<hbm>>)
        tpu.yield
      }) : () -> ()
    } else {
    }
    return
  }
}

#map = affine_map<(d0, d1) -> (0, 0, 0)>
#map1 = affine_map<(d0, d1) -> (0, 0, 0, 0)>
#map2 = affine_map<(d0, d1) -> (0, 0)>
module attributes {stable_mosaic.version = 14 : i64} {
  func.func @_segsum_ring(%arg0: i32, %arg1: i32, %arg2: memref<2x10240x64xf32, #tpu.memory_space<hbm>>, %arg3: memref<2x16x160x128xi32, #tpu.memory_space<hbm>>, %arg4: memref<640x64xf32, #tpu.memory_space<hbm>>, %arg5: memref<2x10240x64xf32, #tpu.memory_space<hbm>>, %arg6: memref<10240x64xf32, #tpu.memory_space<vmem_shared>>, %arg7: memref<160x128xi32, #tpu.memory_space<vmem>>, %arg8: memref<160x128xi32, #tpu.memory_space<vmem>>, %arg9: memref<128x64xf32, #tpu.memory_space<vmem>>, %arg10: memref<128x64xf32, #tpu.memory_space<vmem>>, %arg11: memref<128x64xf32, #tpu.memory_space<vmem>>, %arg12: memref<128x64xf32, #tpu.memory_space<vmem>>, %arg13: memref<128x64xf32, #tpu.memory_space<vmem>>, %arg14: memref<!tpu.dma_semaphore, #tpu.memory_space<semaphore_mem>>, %arg15: memref<!tpu.dma_semaphore, #tpu.memory_space<semaphore_mem>>, %arg16: memref<!tpu.dma_semaphore, #tpu.memory_space<semaphore_mem>>, %arg17: memref<!tpu.dma_semaphore, #tpu.memory_space<semaphore_mem>>, %arg18: memref<!tpu.dma_semaphore, #tpu.memory_space<semaphore_mem>>, %arg19: memref<!tpu.dma_semaphore, #tpu.memory_space<semaphore_mem>>, %arg20: memref<!tpu.dma_semaphore, #tpu.memory_space<semaphore_mem>>, %arg21: memref<!tpu.dma_semaphore, #tpu.memory_space<semaphore_mem>>, %arg22: memref<!tpu.dma_semaphore, #tpu.memory_space<semaphore_mem>>, %arg23: memref<!tpu.dma_semaphore, #tpu.memory_space<semaphore_mem>>) attributes {dimension_semantics = [#tpu.dimension_semantics<core_parallel>, #tpu.dimension_semantics<subcore_parallel>], iteration_bounds = array<i64: 2, 16>, scalar_prefetch = 0 : i64, scratch_operands = 18 : i64, tpu.core_type = #tpu.core_type<sc_vector_subcore>, window_params = [{transform_indices = #map}, {transform_indices = #map1}, {transform_indices = #map2}, {transform_indices = #map}]} {
    %mul3A = arith.constant 640 : i32
    %mul3A_0 = arith.muli %mul3A, %arg1 : i32
    "tpu.region"() ({
      %run_scoped3A_63 = tpu.sem_alloc : memref<!tpu.dma_semaphore, #tpu.memory_space<semaphore_mem>>
      %dma_start3A_64 = arith.constant 0 : i32
      %dma_start3A_65 = tpu.memref_slice %arg6[%mul3A_0, %dma_start3A_64] : memref<10240x64xf32, #tpu.memory_space<vmem_shared>> -> memref<640x64xf32, #tpu.memory_space<vmem_shared>>
      tpu.enqueue_dma source(%arg4 : memref<640x64xf32, #tpu.memory_space<hbm>>) target(%dma_start3A_65 : memref<640x64xf32, #tpu.memory_space<vmem_shared>>) target_semaphore(%run_scoped3A_63 : memref<!tpu.dma_semaphore, #tpu.memory_space<semaphore_mem>>)
      %dma_wait3A_66 = arith.constant 0 : i32
      %dma_wait3A_67 = tpu.memref_slice %arg6[%mul3A_0, %dma_wait3A_66] : memref<10240x64xf32, #tpu.memory_space<vmem_shared>> -> memref<640x64xf32, #tpu.memory_space<vmem_shared>>
      tpu.wait_dma2 semaphore(%run_scoped3A_63 : memref<!tpu.dma_semaphore, #tpu.memory_space<semaphore_mem>>) src(%arg4 : memref<640x64xf32, #tpu.memory_space<hbm>>) dst(%dma_wait3A_67 : memref<640x64xf32, #tpu.memory_space<vmem_shared>>)
      tpu.yield
    }) : () -> ()
    %run_scoped3A = arith.constant 0 : i32
    "tpu.region"() ({
      %run_scoped3A_63 = tpu.sem_alloc : memref<!tpu.dma_semaphore, #tpu.memory_space<semaphore_mem>>
      %dma_start3A_64 = arith.constant 0 : i32
      %dma_start3A_65 = arith.constant 0 : i32
      %dma_start3A_66 = arith.constant 0 : i32
      %dma_start3A_67 = tpu.memref_slice %arg3[%run_scoped3A, %dma_start3A_64, %dma_start3A_65, %dma_start3A_66] : memref<2x16x160x128xi32, #tpu.memory_space<hbm>> -> memref<1x16x160x128xi32, #tpu.memory_space<hbm>>
      %dma_start3A_68 = tpu.memref_squeeze %dma_start3A_67 : memref<1x16x160x128xi32, #tpu.memory_space<hbm>> -> memref<16x160x128xi32, #tpu.memory_space<hbm>>
      %dma_start3A_69 = arith.constant 0 : i32
      %dma_start3A_70 = arith.constant 0 : i32
      %dma_start3A_71 = tpu.memref_slice %dma_start3A_68[%arg1, %dma_start3A_69, %dma_start3A_70] : memref<16x160x128xi32, #tpu.memory_space<hbm>> -> memref<1x160x128xi32, #tpu.memory_space<hbm>>
      %dma_start3A_72 = tpu.memref_squeeze %dma_start3A_71 : memref<1x160x128xi32, #tpu.memory_space<hbm>> -> memref<160x128xi32, #tpu.memory_space<hbm>>
      %dma_start3A_73 = arith.constant 0 : i32
      %dma_start3A_74 = arith.constant 0 : i32
      %dma_start3A_75 = arith.constant 0 : i32
      %dma_start3A_76 = tpu.memref_slice %arg3[%run_scoped3A, %dma_start3A_73, %dma_start3A_74, %dma_start3A_75] : memref<2x16x160x128xi32, #tpu.memory_space<hbm>> -> memref<1x16x160x128xi32, #tpu.memory_space<hbm>>
      %dma_start3A_77 = tpu.memref_squeeze %dma_start3A_76 : memref<1x16x160x128xi32, #tpu.memory_space<hbm>> -> memref<16x160x128xi32, #tpu.memory_space<hbm>>
      %dma_start3A_78 = arith.constant 0 : i32
      %dma_start3A_79 = arith.constant 0 : i32
      %dma_start3A_80 = tpu.memref_slice %dma_start3A_77[%arg1, %dma_start3A_78, %dma_start3A_79] : memref<16x160x128xi32, #tpu.memory_space<hbm>> -> memref<1x160x128xi32, #tpu.memory_space<hbm>>
      %dma_start3A_81 = tpu.memref_squeeze %dma_start3A_80 : memref<1x160x128xi32, #tpu.memory_space<hbm>> -> memref<160x128xi32, #tpu.memory_space<hbm>>
      tpu.enqueue_dma source(%dma_start3A_81 : memref<160x128xi32, #tpu.memory_space<hbm>>) target(%arg7 : memref<160x128xi32, #tpu.memory_space<vmem>>) target_semaphore(%run_scoped3A_63 : memref<!tpu.dma_semaphore, #tpu.memory_space<semaphore_mem>>)
      %dma_wait3A_82 = arith.constant 0 : i32
      %dma_wait3A_83 = arith.constant 0 : i32
      %dma_wait3A_84 = arith.constant 0 : i32
      %dma_wait3A_85 = tpu.memref_slice %arg3[%run_scoped3A, %dma_wait3A_82, %dma_wait3A_83, %dma_wait3A_84] : memref<2x16x160x128xi32, #tpu.memory_space<hbm>> -> memref<1x16x160x128xi32, #tpu.memory_space<hbm>>
      %dma_wait3A_86 = tpu.memref_squeeze %dma_wait3A_85 : memref<1x16x160x128xi32, #tpu.memory_space<hbm>> -> memref<16x160x128xi32, #tpu.memory_space<hbm>>
      %dma_wait3A_87 = arith.constant 0 : i32
      %dma_wait3A_88 = arith.constant 0 : i32
      %dma_wait3A_89 = tpu.memref_slice %dma_wait3A_86[%arg1, %dma_wait3A_87, %dma_wait3A_88] : memref<16x160x128xi32, #tpu.memory_space<hbm>> -> memref<1x160x128xi32, #tpu.memory_space<hbm>>
      %dma_wait3A_90 = tpu.memref_squeeze %dma_wait3A_89 : memref<1x160x128xi32, #tpu.memory_space<hbm>> -> memref<160x128xi32, #tpu.memory_space<hbm>>
      %dma_wait3A_91 = arith.constant 0 : i32
      %dma_wait3A_92 = arith.constant 0 : i32
      %dma_wait3A_93 = arith.constant 0 : i32
      %dma_wait3A_94 = tpu.memref_slice %arg3[%run_scoped3A, %dma_wait3A_91, %dma_wait3A_92, %dma_wait3A_93] : memref<2x16x160x128xi32, #tpu.memory_space<hbm>> -> memref<1x16x160x128xi32, #tpu.memory_space<hbm>>
      %dma_wait3A_95 = tpu.memref_squeeze %dma_wait3A_94 : memref<1x16x160x128xi32, #tpu.memory_space<hbm>> -> memref<16x160x128xi32, #tpu.memory_space<hbm>>
      %dma_wait3A_96 = arith.constant 0 : i32
      %dma_wait3A_97 = arith.constant 0 : i32
      %dma_wait3A_98 = tpu.memref_slice %dma_wait3A_95[%arg1, %dma_wait3A_96, %dma_wait3A_97] : memref<16x160x128xi32, #tpu.memory_space<hbm>> -> memref<1x160x128xi32, #tpu.memory_space<hbm>>
      %dma_wait3A_99 = tpu.memref_squeeze %dma_wait3A_98 : memref<1x160x128xi32, #tpu.memory_space<hbm>> -> memref<160x128xi32, #tpu.memory_space<hbm>>
      tpu.wait_dma2 semaphore(%run_scoped3A_63 : memref<!tpu.dma_semaphore, #tpu.memory_space<semaphore_mem>>) src(%dma_wait3A_99 : memref<160x128xi32, #tpu.memory_space<hbm>>) dst(%arg7 : memref<160x128xi32, #tpu.memory_space<vmem>>)
      tpu.yield
    }) : () -> ()
    %run_scoped3A_1 = arith.constant 1 : i32
    "tpu.region"() ({
      %run_scoped3A_63 = tpu.sem_alloc : memref<!tpu.dma_semaphore, #tpu.memory_space<semaphore_mem>>
      %dma_start3A_64 = arith.constant 0 : i32
      %dma_start3A_65 = arith.constant 0 : i32
      %dma_start3A_66 = arith.constant 0 : i32
      %dma_start3A_67 = tpu.memref_slice %arg3[%run_scoped3A_1, %dma_start3A_64, %dma_start3A_65, %dma_start3A_66] : memref<2x16x160x128xi32, #tpu.memory_space<hbm>> -> memref<1x16x160x128xi32, #tpu.memory_space<hbm>>
      %dma_start3A_68 = tpu.memref_squeeze %dma_start3A_67 : memref<1x16x160x128xi32, #tpu.memory_space<hbm>> -> memref<16x160x128xi32, #tpu.memory_space<hbm>>
      %dma_start3A_69 = arith.constant 0 : i32
      %dma_start3A_70 = arith.constant 0 : i32
      %dma_start3A_71 = tpu.memref_slice %dma_start3A_68[%arg1, %dma_start3A_69, %dma_start3A_70] : memref<16x160x128xi32, #tpu.memory_space<hbm>> -> memref<1x160x128xi32, #tpu.memory_space<hbm>>
      %dma_start3A_72 = tpu.memref_squeeze %dma_start3A_71 : memref<1x160x128xi32, #tpu.memory_space<hbm>> -> memref<160x128xi32, #tpu.memory_space<hbm>>
      %dma_start3A_73 = arith.constant 0 : i32
      %dma_start3A_74 = arith.constant 0 : i32
      %dma_start3A_75 = arith.constant 0 : i32
      %dma_start3A_76 = tpu.memref_slice %arg3[%run_scoped3A_1, %dma_start3A_73, %dma_start3A_74, %dma_start3A_75] : memref<2x16x160x128xi32, #tpu.memory_space<hbm>> -> memref<1x16x160x128xi32, #tpu.memory_space<hbm>>
      %dma_start3A_77 = tpu.memref_squeeze %dma_start3A_76 : memref<1x16x160x128xi32, #tpu.memory_space<hbm>> -> memref<16x160x128xi32, #tpu.memory_space<hbm>>
      %dma_start3A_78 = arith.constant 0 : i32
      %dma_start3A_79 = arith.constant 0 : i32
      %dma_start3A_80 = tpu.memref_slice %dma_start3A_77[%arg1, %dma_start3A_78, %dma_start3A_79] : memref<16x160x128xi32, #tpu.memory_space<hbm>> -> memref<1x160x128xi32, #tpu.memory_space<hbm>>
      %dma_start3A_81 = tpu.memref_squeeze %dma_start3A_80 : memref<1x160x128xi32, #tpu.memory_space<hbm>> -> memref<160x128xi32, #tpu.memory_space<hbm>>
      tpu.enqueue_dma source(%dma_start3A_81 : memref<160x128xi32, #tpu.memory_space<hbm>>) target(%arg8 : memref<160x128xi32, #tpu.memory_space<vmem>>) target_semaphore(%run_scoped3A_63 : memref<!tpu.dma_semaphore, #tpu.memory_space<semaphore_mem>>)
      %dma_wait3A_82 = arith.constant 0 : i32
      %dma_wait3A_83 = arith.constant 0 : i32
      %dma_wait3A_84 = arith.constant 0 : i32
      %dma_wait3A_85 = tpu.memref_slice %arg3[%run_scoped3A_1, %dma_wait3A_82, %dma_wait3A_83, %dma_wait3A_84] : memref<2x16x160x128xi32, #tpu.memory_space<hbm>> -> memref<1x16x160x128xi32, #tpu.memory_space<hbm>>
      %dma_wait3A_86 = tpu.memref_squeeze %dma_wait3A_85 : memref<1x16x160x128xi32, #tpu.memory_space<hbm>> -> memref<16x160x128xi32, #tpu.memory_space<hbm>>
      %dma_wait3A_87 = arith.constant 0 : i32
      %dma_wait3A_88 = arith.constant 0 : i32
      %dma_wait3A_89 = tpu.memref_slice %dma_wait3A_86[%arg1, %dma_wait3A_87, %dma_wait3A_88] : memref<16x160x128xi32, #tpu.memory_space<hbm>> -> memref<1x160x128xi32, #tpu.memory_space<hbm>>
      %dma_wait3A_90 = tpu.memref_squeeze %dma_wait3A_89 : memref<1x160x128xi32, #tpu.memory_space<hbm>> -> memref<160x128xi32, #tpu.memory_space<hbm>>
      %dma_wait3A_91 = arith.constant 0 : i32
      %dma_wait3A_92 = arith.constant 0 : i32
      %dma_wait3A_93 = arith.constant 0 : i32
      %dma_wait3A_94 = tpu.memref_slice %arg3[%run_scoped3A_1, %dma_wait3A_91, %dma_wait3A_92, %dma_wait3A_93] : memref<2x16x160x128xi32, #tpu.memory_space<hbm>> -> memref<1x16x160x128xi32, #tpu.memory_space<hbm>>
      %dma_wait3A_95 = tpu.memref_squeeze %dma_wait3A_94 : memref<1x16x160x128xi32, #tpu.memory_space<hbm>> -> memref<16x160x128xi32, #tpu.memory_space<hbm>>
      %dma_wait3A_96 = arith.constant 0 : i32
      %dma_wait3A_97 = arith.constant 0 : i32
      %dma_wait3A_98 = tpu.memref_slice %dma_wait3A_95[%arg1, %dma_wait3A_96, %dma_wait3A_97] : memref<16x160x128xi32, #tpu.memory_space<hbm>> -> memref<1x160x128xi32, #tpu.memory_space<hbm>>
      %dma_wait3A_99 = tpu.memref_squeeze %dma_wait3A_98 : memref<1x160x128xi32, #tpu.memory_space<hbm>> -> memref<160x128xi32, #tpu.memory_space<hbm>>
      tpu.wait_dma2 semaphore(%run_scoped3A_63 : memref<!tpu.dma_semaphore, #tpu.memory_space<semaphore_mem>>) src(%dma_wait3A_99 : memref<160x128xi32, #tpu.memory_space<hbm>>) dst(%arg8 : memref<160x128xi32, #tpu.memory_space<vmem>>)
      tpu.yield
    }) : () -> ()
    %barrier3A = arith.constant 0 : index
    tpu.barrier barrier_id(%barrier3A)
    %dma_start3A = arith.constant 0 : i32
    %dma_start3A_2 = arith.constant 0 : i32
    %dma_start3A_3 = tpu.memref_slice %arg7[%dma_start3A, %dma_start3A_2] : memref<160x128xi32, #tpu.memory_space<vmem>> -> memref<1x128xi32, #tpu.memory_space<vmem>>
    %dma_start3A_4 = tpu.memref_squeeze %dma_start3A_3 : memref<1x128xi32, #tpu.memory_space<vmem>> -> memref<128xi32, #tpu.memory_space<vmem>>
    %dma_start3A_5 = arith.constant 0 : i32
    %dma_start3A_6 = arith.constant 0 : i32
    %dma_start3A_7 = tpu.memref_slice %arg2[%arg0, %dma_start3A_5, %dma_start3A_6] : memref<2x10240x64xf32, #tpu.memory_space<hbm>> -> memref<1x10240x64xf32, #tpu.memory_space<hbm>>
    %dma_start3A_8 = tpu.memref_squeeze %dma_start3A_7 : memref<1x10240x64xf32, #tpu.memory_space<hbm>> -> memref<10240x64xf32, #tpu.memory_space<hbm>>
    %dma_start3A_9 = arith.constant 0 : i32
    %dma_start3A_10 = arith.constant 0 : i32
    %dma_start3A_11 = tpu.memref_slice %dma_start3A_8[%dma_start3A_9, %dma_start3A_10] : memref<10240x64xf32, #tpu.memory_space<hbm>> -> memref<10240x64xf32, #tpu.memory_space<hbm>>
    tpu.enqueue_indirect_dma source(%dma_start3A_11 : memref<10240x64xf32, #tpu.memory_space<hbm>>) target(%arg9 : memref<128x64xf32, #tpu.memory_space<vmem>>) offsets(%dma_start3A_4 : memref<128xi32, #tpu.memory_space<vmem>>) semaphore(%arg14 : memref<!tpu.dma_semaphore, #tpu.memory_space<semaphore_mem>>)
    %dma_start3A_12 = arith.constant 1 : i32
    %dma_start3A_13 = arith.constant 0 : i32
    %dma_start3A_14 = tpu.memref_slice %arg7[%dma_start3A_12, %dma_start3A_13] : memref<160x128xi32, #tpu.memory_space<vmem>> -> memref<1x128xi32, #tpu.memory_space<vmem>>
    %dma_start3A_15 = tpu.memref_squeeze %dma_start3A_14 : memref<1x128xi32, #tpu.memory_space<vmem>> -> memref<128xi32, #tpu.memory_space<vmem>>
    %dma_start3A_16 = arith.constant 0 : i32
    %dma_start3A_17 = arith.constant 0 : i32
    %dma_start3A_18 = tpu.memref_slice %arg2[%arg0, %dma_start3A_16, %dma_start3A_17] : memref<2x10240x64xf32, #tpu.memory_space<hbm>> -> memref<1x10240x64xf32, #tpu.memory_space<hbm>>
    %dma_start3A_19 = tpu.memref_squeeze %dma_start3A_18 : memref<1x10240x64xf32, #tpu.memory_space<hbm>> -> memref<10240x64xf32, #tpu.memory_space<hbm>>
    %dma_start3A_20 = arith.constant 0 : i32
    %dma_start3A_21 = arith.constant 0 : i32
    %dma_start3A_22 = tpu.memref_slice %dma_start3A_19[%dma_start3A_20, %dma_start3A_21] : memref<10240x64xf32, #tpu.memory_space<hbm>> -> memref<10240x64xf32, #tpu.memory_space<hbm>>
    tpu.enqueue_indirect_dma source(%dma_start3A_22 : memref<10240x64xf32, #tpu.memory_space<hbm>>) target(%arg10 : memref<128x64xf32, #tpu.memory_space<vmem>>) offsets(%dma_start3A_15 : memref<128xi32, #tpu.memory_space<vmem>>) semaphore(%arg15 : memref<!tpu.dma_semaphore, #tpu.memory_space<semaphore_mem>>)
    %scan3A = arith.constant 0 : i32
    %scan3A_23 = arith.constant 0 : i32
    %scan3A_24 = arith.constant 32 : i32
    %scan3A_25 = arith.addi %scan3A_23, %scan3A_24 : i32
    %scan3A_26 = arith.constant 1 : i32
    scf.for %scan3A_63 = %scan3A_23 to %scan3A_25 step %scan3A_26  : i32 {
      %mul3A_64 = arith.constant 5 : i32
      %mul3A_65 = arith.muli %mul3A_64, %scan3A_63 : i32
      %add3A = arith.constant 0 : i32
      %add3A_66 = arith.addi %mul3A_65, %add3A : i32
      %dma_wait3A_67 = arith.constant 0 : i32
      %dma_wait3A_68 = tpu.memref_slice %arg7[%add3A_66, %dma_wait3A_67] : memref<160x128xi32, #tpu.memory_space<vmem>> -> memref<1x128xi32, #tpu.memory_space<vmem>>
      %dma_wait3A_69 = tpu.memref_squeeze %dma_wait3A_68 : memref<1x128xi32, #tpu.memory_space<vmem>> -> memref<128xi32, #tpu.memory_space<vmem>>
      %dma_wait3A_70 = arith.constant 0 : i32
      %dma_wait3A_71 = arith.constant 0 : i32
      %dma_wait3A_72 = tpu.memref_slice %arg2[%arg0, %dma_wait3A_70, %dma_wait3A_71] : memref<2x10240x64xf32, #tpu.memory_space<hbm>> -> memref<1x10240x64xf32, #tpu.memory_space<hbm>>
      %dma_wait3A_73 = tpu.memref_squeeze %dma_wait3A_72 : memref<1x10240x64xf32, #tpu.memory_space<hbm>> -> memref<10240x64xf32, #tpu.memory_space<hbm>>
      %dma_wait3A_74 = arith.constant 0 : i32
      %dma_wait3A_75 = arith.constant 0 : i32
      %dma_wait3A_76 = tpu.memref_slice %dma_wait3A_73[%dma_wait3A_74, %dma_wait3A_75] : memref<10240x64xf32, #tpu.memory_space<hbm>> -> memref<10240x64xf32, #tpu.memory_space<hbm>>
      tpu.wait_indirect_dma semaphore(%arg14 : memref<!tpu.dma_semaphore, #tpu.memory_space<semaphore_mem>>) src(%dma_wait3A_76 : memref<10240x64xf32, #tpu.memory_space<hbm>>) dst(%arg9 : memref<128x64xf32, #tpu.memory_space<vmem>>)
      %dma_start3A_77 = arith.constant 0 : i32
      %dma_start3A_78 = tpu.memref_slice %arg8[%add3A_66, %dma_start3A_77] : memref<160x128xi32, #tpu.memory_space<vmem>> -> memref<1x128xi32, #tpu.memory_space<vmem>>
      %dma_start3A_79 = tpu.memref_squeeze %dma_start3A_78 : memref<1x128xi32, #tpu.memory_space<vmem>> -> memref<128xi32, #tpu.memory_space<vmem>>
      %dma_start3A_80 = arith.constant 0 : i32
      %dma_start3A_81 = arith.constant 0 : i32
      %dma_start3A_82 = tpu.memref_slice %arg6[%dma_start3A_80, %dma_start3A_81] : memref<10240x64xf32, #tpu.memory_space<vmem_shared>> -> memref<10240x64xf32, #tpu.memory_space<vmem_shared>>
      tpu.enqueue_indirect_dma source(%arg9 : memref<128x64xf32, #tpu.memory_space<vmem>>) target(%dma_start3A_82 : memref<10240x64xf32, #tpu.memory_space<vmem_shared>>) offsets(%dma_start3A_79 : memref<128xi32, #tpu.memory_space<vmem>>) semaphore(%arg19 : memref<!tpu.dma_semaphore, #tpu.memory_space<semaphore_mem>>) {add = true}
      %gt3A = arith.constant 0 : i32
      %gt3A_83 = arith.cmpi sgt, %scan3A_63, %gt3A : i32
      %convert_element_type3A = arith.extui %gt3A_83 : i1 to i32
      %cond3A = arith.constant 0 : i32
      %cond3A_84 = arith.cmpi ne, %convert_element_type3A, %cond3A : i32
      scf.if %cond3A_84 {
        %dma_wait3A_224 = arith.constant 0 : i32
        %dma_wait3A_225 = arith.constant 0 : i32
        %dma_wait3A_226 = tpu.memref_slice %arg8[%dma_wait3A_224, %dma_wait3A_225] : memref<160x128xi32, #tpu.memory_space<vmem>> -> memref<1x128xi32, #tpu.memory_space<vmem>>
        %dma_wait3A_227 = tpu.memref_squeeze %dma_wait3A_226 : memref<1x128xi32, #tpu.memory_space<vmem>> -> memref<128xi32, #tpu.memory_space<vmem>>
        %dma_wait3A_228 = arith.constant 0 : i32
        %dma_wait3A_229 = arith.constant 0 : i32
        %dma_wait3A_230 = tpu.memref_slice %arg6[%dma_wait3A_228, %dma_wait3A_229] : memref<10240x64xf32, #tpu.memory_space<vmem_shared>> -> memref<10240x64xf32, #tpu.memory_space<vmem_shared>>
        tpu.wait_indirect_dma semaphore(%arg21 : memref<!tpu.dma_semaphore, #tpu.memory_space<semaphore_mem>>) src(%arg11 : memref<128x64xf32, #tpu.memory_space<vmem>>) dst(%dma_wait3A_230 : memref<10240x64xf32, #tpu.memory_space<vmem_shared>>)
      } else {
      }
      %add3A_85 = arith.constant 2 : i32
      %add3A_86 = arith.addi %add3A_66, %add3A_85 : i32
      %dma_start3A_87 = arith.constant 0 : i32
      %dma_start3A_88 = tpu.memref_slice %arg7[%add3A_86, %dma_start3A_87] : memref<160x128xi32, #tpu.memory_space<vmem>> -> memref<1x128xi32, #tpu.memory_space<vmem>>
      %dma_start3A_89 = tpu.memref_squeeze %dma_start3A_88 : memref<1x128xi32, #tpu.memory_space<vmem>> -> memref<128xi32, #tpu.memory_space<vmem>>
      %dma_start3A_90 = arith.constant 0 : i32
      %dma_start3A_91 = arith.constant 0 : i32
      %dma_start3A_92 = tpu.memref_slice %arg2[%arg0, %dma_start3A_90, %dma_start3A_91] : memref<2x10240x64xf32, #tpu.memory_space<hbm>> -> memref<1x10240x64xf32, #tpu.memory_space<hbm>>
      %dma_start3A_93 = tpu.memref_squeeze %dma_start3A_92 : memref<1x10240x64xf32, #tpu.memory_space<hbm>> -> memref<10240x64xf32, #tpu.memory_space<hbm>>
      %dma_start3A_94 = arith.constant 0 : i32
      %dma_start3A_95 = arith.constant 0 : i32
      %dma_start3A_96 = tpu.memref_slice %dma_start3A_93[%dma_start3A_94, %dma_start3A_95] : memref<10240x64xf32, #tpu.memory_space<hbm>> -> memref<10240x64xf32, #tpu.memory_space<hbm>>
      tpu.enqueue_indirect_dma source(%dma_start3A_96 : memref<10240x64xf32, #tpu.memory_space<hbm>>) target(%arg11 : memref<128x64xf32, #tpu.memory_space<vmem>>) offsets(%dma_start3A_89 : memref<128xi32, #tpu.memory_space<vmem>>) semaphore(%arg16 : memref<!tpu.dma_semaphore, #tpu.memory_space<semaphore_mem>>)
      %mul3A_97 = arith.constant 5 : i32
      %mul3A_98 = arith.muli %mul3A_97, %scan3A_63 : i32
      %add3A_99 = arith.constant 1 : i32
      %add3A_100 = arith.addi %mul3A_98, %add3A_99 : i32
      %dma_wait3A_101 = arith.constant 0 : i32
      %dma_wait3A_102 = tpu.memref_slice %arg7[%add3A_100, %dma_wait3A_101] : memref<160x128xi32, #tpu.memory_space<vmem>> -> memref<1x128xi32, #tpu.memory_space<vmem>>
      %dma_wait3A_103 = tpu.memref_squeeze %dma_wait3A_102 : memref<1x128xi32, #tpu.memory_space<vmem>> -> memref<128xi32, #tpu.memory_space<vmem>>
      %dma_wait3A_104 = arith.constant 0 : i32
      %dma_wait3A_105 = arith.constant 0 : i32
      %dma_wait3A_106 = tpu.memref_slice %arg2[%arg0, %dma_wait3A_104, %dma_wait3A_105] : memref<2x10240x64xf32, #tpu.memory_space<hbm>> -> memref<1x10240x64xf32, #tpu.memory_space<hbm>>
      %dma_wait3A_107 = tpu.memref_squeeze %dma_wait3A_106 : memref<1x10240x64xf32, #tpu.memory_space<hbm>> -> memref<10240x64xf32, #tpu.memory_space<hbm>>
      %dma_wait3A_108 = arith.constant 0 : i32
      %dma_wait3A_109 = arith.constant 0 : i32
      %dma_wait3A_110 = tpu.memref_slice %dma_wait3A_107[%dma_wait3A_108, %dma_wait3A_109] : memref<10240x64xf32, #tpu.memory_space<hbm>> -> memref<10240x64xf32, #tpu.memory_space<hbm>>
      tpu.wait_indirect_dma semaphore(%arg15 : memref<!tpu.dma_semaphore, #tpu.memory_space<semaphore_mem>>) src(%dma_wait3A_110 : memref<10240x64xf32, #tpu.memory_space<hbm>>) dst(%arg10 : memref<128x64xf32, #tpu.memory_space<vmem>>)
      %dma_start3A_111 = arith.constant 0 : i32
      %dma_start3A_112 = tpu.memref_slice %arg8[%add3A_100, %dma_start3A_111] : memref<160x128xi32, #tpu.memory_space<vmem>> -> memref<1x128xi32, #tpu.memory_space<vmem>>
      %dma_start3A_113 = tpu.memref_squeeze %dma_start3A_112 : memref<1x128xi32, #tpu.memory_space<vmem>> -> memref<128xi32, #tpu.memory_space<vmem>>
      %dma_start3A_114 = arith.constant 0 : i32
      %dma_start3A_115 = arith.constant 0 : i32
      %dma_start3A_116 = tpu.memref_slice %arg6[%dma_start3A_114, %dma_start3A_115] : memref<10240x64xf32, #tpu.memory_space<vmem_shared>> -> memref<10240x64xf32, #tpu.memory_space<vmem_shared>>
      tpu.enqueue_indirect_dma source(%arg10 : memref<128x64xf32, #tpu.memory_space<vmem>>) target(%dma_start3A_116 : memref<10240x64xf32, #tpu.memory_space<vmem_shared>>) offsets(%dma_start3A_113 : memref<128xi32, #tpu.memory_space<vmem>>) semaphore(%arg20 : memref<!tpu.dma_semaphore, #tpu.memory_space<semaphore_mem>>) {add = true}
      %gt3A_117 = arith.constant 0 : i32
      %gt3A_118 = arith.cmpi sgt, %scan3A_63, %gt3A_117 : i32
      %convert_element_type3A_119 = arith.extui %gt3A_118 : i1 to i32
      %cond3A_120 = arith.constant 0 : i32
      %cond3A_121 = arith.cmpi ne, %convert_element_type3A_119, %cond3A_120 : i32
      scf.if %cond3A_121 {
        %dma_wait3A_224 = arith.constant 0 : i32
        %dma_wait3A_225 = arith.constant 0 : i32
        %dma_wait3A_226 = tpu.memref_slice %arg8[%dma_wait3A_224, %dma_wait3A_225] : memref<160x128xi32, #tpu.memory_space<vmem>> -> memref<1x128xi32, #tpu.memory_space<vmem>>
        %dma_wait3A_227 = tpu.memref_squeeze %dma_wait3A_226 : memref<1x128xi32, #tpu.memory_space<vmem>> -> memref<128xi32, #tpu.memory_space<vmem>>
        %dma_wait3A_228 = arith.constant 0 : i32
        %dma_wait3A_229 = arith.constant 0 : i32
        %dma_wait3A_230 = tpu.memref_slice %arg6[%dma_wait3A_228, %dma_wait3A_229] : memref<10240x64xf32, #tpu.memory_space<vmem_shared>> -> memref<10240x64xf32, #tpu.memory_space<vmem_shared>>
        tpu.wait_indirect_dma semaphore(%arg22 : memref<!tpu.dma_semaphore, #tpu.memory_space<semaphore_mem>>) src(%arg12 : memref<128x64xf32, #tpu.memory_space<vmem>>) dst(%dma_wait3A_230 : memref<10240x64xf32, #tpu.memory_space<vmem_shared>>)
      } else {
      }
      %add3A_122 = arith.constant 2 : i32
      %add3A_123 = arith.addi %add3A_100, %add3A_122 : i32
      %dma_start3A_124 = arith.constant 0 : i32
      %dma_start3A_125 = tpu.memref_slice %arg7[%add3A_123, %dma_start3A_124] : memref<160x128xi32, #tpu.memory_space<vmem>> -> memref<1x128xi32, #tpu.memory_space<vmem>>
      %dma_start3A_126 = tpu.memref_squeeze %dma_start3A_125 : memref<1x128xi32, #tpu.memory_space<vmem>> -> memref<128xi32, #tpu.memory_space<vmem>>
      %dma_start3A_127 = arith.constant 0 : i32
      %dma_start3A_128 = arith.constant 0 : i32
      %dma_start3A_129 = tpu.memref_slice %arg2[%arg0, %dma_start3A_127, %dma_start3A_128] : memref<2x10240x64xf32, #tpu.memory_space<hbm>> -> memref<1x10240x64xf32, #tpu.memory_space<hbm>>
      %dma_start3A_130 = tpu.memref_squeeze %dma_start3A_129 : memref<1x10240x64xf32, #tpu.memory_space<hbm>> -> memref<10240x64xf32, #tpu.memory_space<hbm>>
      %dma_start3A_131 = arith.constant 0 : i32
      %dma_start3A_132 = arith.constant 0 : i32
      %dma_start3A_133 = tpu.memref_slice %dma_start3A_130[%dma_start3A_131, %dma_start3A_132] : memref<10240x64xf32, #tpu.memory_space<hbm>> -> memref<10240x64xf32, #tpu.memory_space<hbm>>
      tpu.enqueue_indirect_dma source(%dma_start3A_133 : memref<10240x64xf32, #tpu.memory_space<hbm>>) target(%arg12 : memref<128x64xf32, #tpu.memory_space<vmem>>) offsets(%dma_start3A_126 : memref<128xi32, #tpu.memory_space<vmem>>) semaphore(%arg17 : memref<!tpu.dma_semaphore, #tpu.memory_space<semaphore_mem>>)
      %mul3A_134 = arith.constant 5 : i32
      %mul3A_135 = arith.muli %mul3A_134, %scan3A_63 : i32
      %add3A_136 = arith.constant 2 : i32
      %add3A_137 = arith.addi %mul3A_135, %add3A_136 : i32
      %dma_wait3A_138 = arith.constant 0 : i32
      %dma_wait3A_139 = tpu.memref_slice %arg7[%add3A_137, %dma_wait3A_138] : memref<160x128xi32, #tpu.memory_space<vmem>> -> memref<1x128xi32, #tpu.memory_space<vmem>>
      %dma_wait3A_140 = tpu.memref_squeeze %dma_wait3A_139 : memref<1x128xi32, #tpu.memory_space<vmem>> -> memref<128xi32, #tpu.memory_space<vmem>>
      %dma_wait3A_141 = arith.constant 0 : i32
      %dma_wait3A_142 = arith.constant 0 : i32
      %dma_wait3A_143 = tpu.memref_slice %arg2[%arg0, %dma_wait3A_141, %dma_wait3A_142] : memref<2x10240x64xf32, #tpu.memory_space<hbm>> -> memref<1x10240x64xf32, #tpu.memory_space<hbm>>
      %dma_wait3A_144 = tpu.memref_squeeze %dma_wait3A_143 : memref<1x10240x64xf32, #tpu.memory_space<hbm>> -> memref<10240x64xf32, #tpu.memory_space<hbm>>
      %dma_wait3A_145 = arith.constant 0 : i32
      %dma_wait3A_146 = arith.constant 0 : i32
      %dma_wait3A_147 = tpu.memref_slice %dma_wait3A_144[%dma_wait3A_145, %dma_wait3A_146] : memref<10240x64xf32, #tpu.memory_space<hbm>> -> memref<10240x64xf32, #tpu.memory_space<hbm>>
      tpu.wait_indirect_dma semaphore(%arg16 : memref<!tpu.dma_semaphore, #tpu.memory_space<semaphore_mem>>) src(%dma_wait3A_147 : memref<10240x64xf32, #tpu.memory_space<hbm>>) dst(%arg11 : memref<128x64xf32, #tpu.memory_space<vmem>>)
      %dma_start3A_148 = arith.constant 0 : i32
      %dma_start3A_149 = tpu.memref_slice %arg8[%add3A_137, %dma_start3A_148] : memref<160x128xi32, #tpu.memory_space<vmem>> -> memref<1x128xi32, #tpu.memory_space<vmem>>
      %dma_start3A_150 = tpu.memref_squeeze %dma_start3A_149 : memref<1x128xi32, #tpu.memory_space<vmem>> -> memref<128xi32, #tpu.memory_space<vmem>>
      %dma_start3A_151 = arith.constant 0 : i32
      %dma_start3A_152 = arith.constant 0 : i32
      %dma_start3A_153 = tpu.memref_slice %arg6[%dma_start3A_151, %dma_start3A_152] : memref<10240x64xf32, #tpu.memory_space<vmem_shared>> -> memref<10240x64xf32, #tpu.memory_space<vmem_shared>>
      tpu.enqueue_indirect_dma source(%arg11 : memref<128x64xf32, #tpu.memory_space<vmem>>) target(%dma_start3A_153 : memref<10240x64xf32, #tpu.memory_space<vmem_shared>>) offsets(%dma_start3A_150 : memref<128xi32, #tpu.memory_space<vmem>>) semaphore(%arg21 : memref<!tpu.dma_semaphore, #tpu.memory_space<semaphore_mem>>) {add = true}
      %gt3A_154 = arith.constant 0 : i32
      %gt3A_155 = arith.cmpi sgt, %scan3A_63, %gt3A_154 : i32
      %convert_element_type3A_156 = arith.extui %gt3A_155 : i1 to i32
      %cond3A_157 = arith.constant 0 : i32
      %cond3A_158 = arith.cmpi ne, %convert_element_type3A_156, %cond3A_157 : i32
      scf.if %cond3A_158 {
        %dma_wait3A_224 = arith.constant 0 : i32
        %dma_wait3A_225 = arith.constant 0 : i32
        %dma_wait3A_226 = tpu.memref_slice %arg8[%dma_wait3A_224, %dma_wait3A_225] : memref<160x128xi32, #tpu.memory_space<vmem>> -> memref<1x128xi32, #tpu.memory_space<vmem>>
        %dma_wait3A_227 = tpu.memref_squeeze %dma_wait3A_226 : memref<1x128xi32, #tpu.memory_space<vmem>> -> memref<128xi32, #tpu.memory_space<vmem>>
        %dma_wait3A_228 = arith.constant 0 : i32
        %dma_wait3A_229 = arith.constant 0 : i32
        %dma_wait3A_230 = tpu.memref_slice %arg6[%dma_wait3A_228, %dma_wait3A_229] : memref<10240x64xf32, #tpu.memory_space<vmem_shared>> -> memref<10240x64xf32, #tpu.memory_space<vmem_shared>>
        tpu.wait_indirect_dma semaphore(%arg23 : memref<!tpu.dma_semaphore, #tpu.memory_space<semaphore_mem>>) src(%arg13 : memref<128x64xf32, #tpu.memory_space<vmem>>) dst(%dma_wait3A_230 : memref<10240x64xf32, #tpu.memory_space<vmem_shared>>)
      } else {
      }
      %add3A_159 = arith.constant 2 : i32
      %add3A_160 = arith.addi %add3A_137, %add3A_159 : i32
      %dma_start3A_161 = arith.constant 0 : i32
      %dma_start3A_162 = tpu.memref_slice %arg7[%add3A_160, %dma_start3A_161] : memref<160x128xi32, #tpu.memory_space<vmem>> -> memref<1x128xi32, #tpu.memory_space<vmem>>
      %dma_start3A_163 = tpu.memref_squeeze %dma_start3A_162 : memref<1x128xi32, #tpu.memory_space<vmem>> -> memref<128xi32, #tpu.memory_space<vmem>>
      %dma_start3A_164 = arith.constant 0 : i32
      %dma_start3A_165 = arith.constant 0 : i32
      %dma_start3A_166 = tpu.memref_slice %arg2[%arg0, %dma_start3A_164, %dma_start3A_165] : memref<2x10240x64xf32, #tpu.memory_space<hbm>> -> memref<1x10240x64xf32, #tpu.memory_space<hbm>>
      %dma_start3A_167 = tpu.memref_squeeze %dma_start3A_166 : memref<1x10240x64xf32, #tpu.memory_space<hbm>> -> memref<10240x64xf32, #tpu.memory_space<hbm>>
      %dma_start3A_168 = arith.constant 0 : i32
      %dma_start3A_169 = arith.constant 0 : i32
      %dma_start3A_170 = tpu.memref_slice %dma_start3A_167[%dma_start3A_168, %dma_start3A_169] : memref<10240x64xf32, #tpu.memory_space<hbm>> -> memref<10240x64xf32, #tpu.memory_space<hbm>>
      tpu.enqueue_indirect_dma source(%dma_start3A_170 : memref<10240x64xf32, #tpu.memory_space<hbm>>) target(%arg13 : memref<128x64xf32, #tpu.memory_space<vmem>>) offsets(%dma_start3A_163 : memref<128xi32, #tpu.memory_space<vmem>>) semaphore(%arg18 : memref<!tpu.dma_semaphore, #tpu.memory_space<semaphore_mem>>)
      %mul3A_171 = arith.constant 5 : i32
      %mul3A_172 = arith.muli %mul3A_171, %scan3A_63 : i32
      %add3A_173 = arith.constant 3 : i32
      %add3A_174 = arith.addi %mul3A_172, %add3A_173 : i32
      %dma_wait3A_175 = arith.constant 0 : i32
      %dma_wait3A_176 = tpu.memref_slice %arg7[%add3A_174, %dma_wait3A_175] : memref<160x128xi32, #tpu.memory_space<vmem>> -> memref<1x128xi32, #tpu.memory_space<vmem>>
      %dma_wait3A_177 = tpu.memref_squeeze %dma_wait3A_176 : memref<1x128xi32, #tpu.memory_space<vmem>> -> memref<128xi32, #tpu.memory_space<vmem>>
      %dma_wait3A_178 = arith.constant 0 : i32
      %dma_wait3A_179 = arith.constant 0 : i32
      %dma_wait3A_180 = tpu.memref_slice %arg2[%arg0, %dma_wait3A_178, %dma_wait3A_179] : memref<2x10240x64xf32, #tpu.memory_space<hbm>> -> memref<1x10240x64xf32, #tpu.memory_space<hbm>>
      %dma_wait3A_181 = tpu.memref_squeeze %dma_wait3A_180 : memref<1x10240x64xf32, #tpu.memory_space<hbm>> -> memref<10240x64xf32, #tpu.memory_space<hbm>>
      %dma_wait3A_182 = arith.constant 0 : i32
      %dma_wait3A_183 = arith.constant 0 : i32
      %dma_wait3A_184 = tpu.memref_slice %dma_wait3A_181[%dma_wait3A_182, %dma_wait3A_183] : memref<10240x64xf32, #tpu.memory_space<hbm>> -> memref<10240x64xf32, #tpu.memory_space<hbm>>
      tpu.wait_indirect_dma semaphore(%arg17 : memref<!tpu.dma_semaphore, #tpu.memory_space<semaphore_mem>>) src(%dma_wait3A_184 : memref<10240x64xf32, #tpu.memory_space<hbm>>) dst(%arg12 : memref<128x64xf32, #tpu.memory_space<vmem>>)
      %dma_start3A_185 = arith.constant 0 : i32
      %dma_start3A_186 = tpu.memref_slice %arg8[%add3A_174, %dma_start3A_185] : memref<160x128xi32, #tpu.memory_space<vmem>> -> memref<1x128xi32, #tpu.memory_space<vmem>>
      %dma_start3A_187 = tpu.memref_squeeze %dma_start3A_186 : memref<1x128xi32, #tpu.memory_space<vmem>> -> memref<128xi32, #tpu.memory_space<vmem>>
      %dma_start3A_188 = arith.constant 0 : i32
      %dma_start3A_189 = arith.constant 0 : i32
      %dma_start3A_190 = tpu.memref_slice %arg6[%dma_start3A_188, %dma_start3A_189] : memref<10240x64xf32, #tpu.memory_space<vmem_shared>> -> memref<10240x64xf32, #tpu.memory_space<vmem_shared>>
      tpu.enqueue_indirect_dma source(%arg12 : memref<128x64xf32, #tpu.memory_space<vmem>>) target(%dma_start3A_190 : memref<10240x64xf32, #tpu.memory_space<vmem_shared>>) offsets(%dma_start3A_187 : memref<128xi32, #tpu.memory_space<vmem>>) semaphore(%arg22 : memref<!tpu.dma_semaphore, #tpu.memory_space<semaphore_mem>>) {add = true}
      %add3A_191 = arith.constant 2 : i32
      %add3A_192 = arith.addi %add3A_174, %add3A_191 : i32
      %lt3A = arith.constant 160 : i32
      %lt3A_193 = arith.cmpi slt, %add3A_192, %lt3A : i32
      %convert_element_type3A_194 = arith.extui %lt3A_193 : i1 to i32
      %cond3A_195 = arith.constant 0 : i32
      %cond3A_196 = arith.cmpi ne, %convert_element_type3A_194, %cond3A_195 : i32
      scf.if %cond3A_196 {
        %dma_wait3A_224 = arith.constant 0 : i32
        %dma_wait3A_225 = arith.constant 0 : i32
        %dma_wait3A_226 = tpu.memref_slice %arg8[%dma_wait3A_224, %dma_wait3A_225] : memref<160x128xi32, #tpu.memory_space<vmem>> -> memref<1x128xi32, #tpu.memory_space<vmem>>
        %dma_wait3A_227 = tpu.memref_squeeze %dma_wait3A_226 : memref<1x128xi32, #tpu.memory_space<vmem>> -> memref<128xi32, #tpu.memory_space<vmem>>
        %dma_wait3A_228 = arith.constant 0 : i32
        %dma_wait3A_229 = arith.constant 0 : i32
        %dma_wait3A_230 = tpu.memref_slice %arg6[%dma_wait3A_228, %dma_wait3A_229] : memref<10240x64xf32, #tpu.memory_space<vmem_shared>> -> memref<10240x64xf32, #tpu.memory_space<vmem_shared>>
        tpu.wait_indirect_dma semaphore(%arg19 : memref<!tpu.dma_semaphore, #tpu.memory_space<semaphore_mem>>) src(%arg9 : memref<128x64xf32, #tpu.memory_space<vmem>>) dst(%dma_wait3A_230 : memref<10240x64xf32, #tpu.memory_space<vmem_shared>>)
        %add3A_231 = arith.constant 2 : i32
        %add3A_232 = arith.addi %add3A_174, %add3A_231 : i32
        %dma_start3A_233 = arith.constant 0 : i32
        %dma_start3A_234 = tpu.memref_slice %arg7[%add3A_232, %dma_start3A_233] : memref<160x128xi32, #tpu.memory_space<vmem>> -> memref<1x128xi32, #tpu.memory_space<vmem>>
        %dma_start3A_235 = tpu.memref_squeeze %dma_start3A_234 : memref<1x128xi32, #tpu.memory_space<vmem>> -> memref<128xi32, #tpu.memory_space<vmem>>
        %dma_start3A_236 = arith.constant 0 : i32
        %dma_start3A_237 = arith.constant 0 : i32
        %dma_start3A_238 = tpu.memref_slice %arg2[%arg0, %dma_start3A_236, %dma_start3A_237] : memref<2x10240x64xf32, #tpu.memory_space<hbm>> -> memref<1x10240x64xf32, #tpu.memory_space<hbm>>
        %dma_start3A_239 = tpu.memref_squeeze %dma_start3A_238 : memref<1x10240x64xf32, #tpu.memory_space<hbm>> -> memref<10240x64xf32, #tpu.memory_space<hbm>>
        %dma_start3A_240 = arith.constant 0 : i32
        %dma_start3A_241 = arith.constant 0 : i32
        %dma_start3A_242 = tpu.memref_slice %dma_start3A_239[%dma_start3A_240, %dma_start3A_241] : memref<10240x64xf32, #tpu.memory_space<hbm>> -> memref<10240x64xf32, #tpu.memory_space<hbm>>
        tpu.enqueue_indirect_dma source(%dma_start3A_242 : memref<10240x64xf32, #tpu.memory_space<hbm>>) target(%arg9 : memref<128x64xf32, #tpu.memory_space<vmem>>) offsets(%dma_start3A_235 : memref<128xi32, #tpu.memory_space<vmem>>) semaphore(%arg14 : memref<!tpu.dma_semaphore, #tpu.memory_space<semaphore_mem>>)
      } else {
      }
      %mul3A_197 = arith.constant 5 : i32
      %mul3A_198 = arith.muli %mul3A_197, %scan3A_63 : i32
      %add3A_199 = arith.constant 4 : i32
      %add3A_200 = arith.addi %mul3A_198, %add3A_199 : i32
      %dma_wait3A_201 = arith.constant 0 : i32
      %dma_wait3A_202 = tpu.memref_slice %arg7[%add3A_200, %dma_wait3A_201] : memref<160x128xi32, #tpu.memory_space<vmem>> -> memref<1x128xi32, #tpu.memory_space<vmem>>
      %dma_wait3A_203 = tpu.memref_squeeze %dma_wait3A_202 : memref<1x128xi32, #tpu.memory_space<vmem>> -> memref<128xi32, #tpu.memory_space<vmem>>
      %dma_wait3A_204 = arith.constant 0 : i32
      %dma_wait3A_205 = arith.constant 0 : i32
      %dma_wait3A_206 = tpu.memref_slice %arg2[%arg0, %dma_wait3A_204, %dma_wait3A_205] : memref<2x10240x64xf32, #tpu.memory_space<hbm>> -> memref<1x10240x64xf32, #tpu.memory_space<hbm>>
      %dma_wait3A_207 = tpu.memref_squeeze %dma_wait3A_206 : memref<1x10240x64xf32, #tpu.memory_space<hbm>> -> memref<10240x64xf32, #tpu.memory_space<hbm>>
      %dma_wait3A_208 = arith.constant 0 : i32
      %dma_wait3A_209 = arith.constant 0 : i32
      %dma_wait3A_210 = tpu.memref_slice %dma_wait3A_207[%dma_wait3A_208, %dma_wait3A_209] : memref<10240x64xf32, #tpu.memory_space<hbm>> -> memref<10240x64xf32, #tpu.memory_space<hbm>>
      tpu.wait_indirect_dma semaphore(%arg18 : memref<!tpu.dma_semaphore, #tpu.memory_space<semaphore_mem>>) src(%dma_wait3A_210 : memref<10240x64xf32, #tpu.memory_space<hbm>>) dst(%arg13 : memref<128x64xf32, #tpu.memory_space<vmem>>)
      %dma_start3A_211 = arith.constant 0 : i32
      %dma_start3A_212 = tpu.memref_slice %arg8[%add3A_200, %dma_start3A_211] : memref<160x128xi32, #tpu.memory_space<vmem>> -> memref<1x128xi32, #tpu.memory_space<vmem>>
      %dma_start3A_213 = tpu.memref_squeeze %dma_start3A_212 : memref<1x128xi32, #tpu.memory_space<vmem>> -> memref<128xi32, #tpu.memory_space<vmem>>
      %dma_start3A_214 = arith.constant 0 : i32
      %dma_start3A_215 = arith.constant 0 : i32
      %dma_start3A_216 = tpu.memref_slice %arg6[%dma_start3A_214, %dma_start3A_215] : memref<10240x64xf32, #tpu.memory_space<vmem_shared>> -> memref<10240x64xf32, #tpu.memory_space<vmem_shared>>
      tpu.enqueue_indirect_dma source(%arg13 : memref<128x64xf32, #tpu.memory_space<vmem>>) target(%dma_start3A_216 : memref<10240x64xf32, #tpu.memory_space<vmem_shared>>) offsets(%dma_start3A_213 : memref<128xi32, #tpu.memory_space<vmem>>) semaphore(%arg23 : memref<!tpu.dma_semaphore, #tpu.memory_space<semaphore_mem>>) {add = true}
      %add3A_217 = arith.constant 2 : i32
      %add3A_218 = arith.addi %add3A_200, %add3A_217 : i32
      %lt3A_219 = arith.constant 160 : i32
      %lt3A_220 = arith.cmpi slt, %add3A_218, %lt3A_219 : i32
      %convert_element_type3A_221 = arith.extui %lt3A_220 : i1 to i32
      %cond3A_222 = arith.constant 0 : i32
      %cond3A_223 = arith.cmpi ne, %convert_element_type3A_221, %cond3A_222 : i32
      scf.if %cond3A_223 {
        %dma_wait3A_224 = arith.constant 0 : i32
        %dma_wait3A_225 = arith.constant 0 : i32
        %dma_wait3A_226 = tpu.memref_slice %arg8[%dma_wait3A_224, %dma_wait3A_225] : memref<160x128xi32, #tpu.memory_space<vmem>> -> memref<1x128xi32, #tpu.memory_space<vmem>>
        %dma_wait3A_227 = tpu.memref_squeeze %dma_wait3A_226 : memref<1x128xi32, #tpu.memory_space<vmem>> -> memref<128xi32, #tpu.memory_space<vmem>>
        %dma_wait3A_228 = arith.constant 0 : i32
        %dma_wait3A_229 = arith.constant 0 : i32
        %dma_wait3A_230 = tpu.memref_slice %arg6[%dma_wait3A_228, %dma_wait3A_229] : memref<10240x64xf32, #tpu.memory_space<vmem_shared>> -> memref<10240x64xf32, #tpu.memory_space<vmem_shared>>
        tpu.wait_indirect_dma semaphore(%arg20 : memref<!tpu.dma_semaphore, #tpu.memory_space<semaphore_mem>>) src(%arg10 : memref<128x64xf32, #tpu.memory_space<vmem>>) dst(%dma_wait3A_230 : memref<10240x64xf32, #tpu.memory_space<vmem_shared>>)
        %add3A_231 = arith.constant 2 : i32
        %add3A_232 = arith.addi %add3A_200, %add3A_231 : i32
        %dma_start3A_233 = arith.constant 0 : i32
        %dma_start3A_234 = tpu.memref_slice %arg7[%add3A_232, %dma_start3A_233] : memref<160x128xi32, #tpu.memory_space<vmem>> -> memref<1x128xi32, #tpu.memory_space<vmem>>
        %dma_start3A_235 = tpu.memref_squeeze %dma_start3A_234 : memref<1x128xi32, #tpu.memory_space<vmem>> -> memref<128xi32, #tpu.memory_space<vmem>>
        %dma_start3A_236 = arith.constant 0 : i32
        %dma_start3A_237 = arith.constant 0 : i32
        %dma_start3A_238 = tpu.memref_slice %arg2[%arg0, %dma_start3A_236, %dma_start3A_237] : memref<2x10240x64xf32, #tpu.memory_space<hbm>> -> memref<1x10240x64xf32, #tpu.memory_space<hbm>>
        %dma_start3A_239 = tpu.memref_squeeze %dma_start3A_238 : memref<1x10240x64xf32, #tpu.memory_space<hbm>> -> memref<10240x64xf32, #tpu.memory_space<hbm>>
        %dma_start3A_240 = arith.constant 0 : i32
        %dma_start3A_241 = arith.constant 0 : i32
        %dma_start3A_242 = tpu.memref_slice %dma_start3A_239[%dma_start3A_240, %dma_start3A_241] : memref<10240x64xf32, #tpu.memory_space<hbm>> -> memref<10240x64xf32, #tpu.memory_space<hbm>>
        tpu.enqueue_indirect_dma source(%dma_start3A_242 : memref<10240x64xf32, #tpu.memory_space<hbm>>) target(%arg10 : memref<128x64xf32, #tpu.memory_space<vmem>>) offsets(%dma_start3A_235 : memref<128xi32, #tpu.memory_space<vmem>>) semaphore(%arg15 : memref<!tpu.dma_semaphore, #tpu.memory_space<semaphore_mem>>)
      } else {
      }
    }
    %scan3A_27 = arith.constant 32 : i32
    %dma_wait3A = arith.constant 0 : i32
    %dma_wait3A_28 = arith.constant 0 : i32
    %dma_wait3A_29 = tpu.memref_slice %arg8[%dma_wait3A, %dma_wait3A_28] : memref<160x128xi32, #tpu.memory_space<vmem>> -> memref<1x128xi32, #tpu.memory_space<vmem>>
    %dma_wait3A_30 = tpu.memref_squeeze %dma_wait3A_29 : memref<1x128xi32, #tpu.memory_space<vmem>> -> memref<128xi32, #tpu.memory_space<vmem>>
    %dma_wait3A_31 = arith.constant 0 : i32
    %dma_wait3A_32 = arith.constant 0 : i32
    %dma_wait3A_33 = tpu.memref_slice %arg6[%dma_wait3A_31, %dma_wait3A_32] : memref<10240x64xf32, #tpu.memory_space<vmem_shared>> -> memref<10240x64xf32, #tpu.memory_space<vmem_shared>>
    tpu.wait_indirect_dma semaphore(%arg19 : memref<!tpu.dma_semaphore, #tpu.memory_space<semaphore_mem>>) src(%arg9 : memref<128x64xf32, #tpu.memory_space<vmem>>) dst(%dma_wait3A_33 : memref<10240x64xf32, #tpu.memory_space<vmem_shared>>)
    %dma_wait3A_34 = arith.constant 0 : i32
    %dma_wait3A_35 = arith.constant 0 : i32
    %dma_wait3A_36 = tpu.memref_slice %arg8[%dma_wait3A_34, %dma_wait3A_35] : memref<160x128xi32, #tpu.memory_space<vmem>> -> memref<1x128xi32, #tpu.memory_space<vmem>>
    %dma_wait3A_37 = tpu.memref_squeeze %dma_wait3A_36 : memref<1x128xi32, #tpu.memory_space<vmem>> -> memref<128xi32, #tpu.memory_space<vmem>>
    %dma_wait3A_38 = arith.constant 0 : i32
    %dma_wait3A_39 = arith.constant 0 : i32
    %dma_wait3A_40 = tpu.memref_slice %arg6[%dma_wait3A_38, %dma_wait3A_39] : memref<10240x64xf32, #tpu.memory_space<vmem_shared>> -> memref<10240x64xf32, #tpu.memory_space<vmem_shared>>
    tpu.wait_indirect_dma semaphore(%arg20 : memref<!tpu.dma_semaphore, #tpu.memory_space<semaphore_mem>>) src(%arg10 : memref<128x64xf32, #tpu.memory_space<vmem>>) dst(%dma_wait3A_40 : memref<10240x64xf32, #tpu.memory_space<vmem_shared>>)
    %dma_wait3A_41 = arith.constant 0 : i32
    %dma_wait3A_42 = arith.constant 0 : i32
    %dma_wait3A_43 = tpu.memref_slice %arg8[%dma_wait3A_41, %dma_wait3A_42] : memref<160x128xi32, #tpu.memory_space<vmem>> -> memref<1x128xi32, #tpu.memory_space<vmem>>
    %dma_wait3A_44 = tpu.memref_squeeze %dma_wait3A_43 : memref<1x128xi32, #tpu.memory_space<vmem>> -> memref<128xi32, #tpu.memory_space<vmem>>
    %dma_wait3A_45 = arith.constant 0 : i32
    %dma_wait3A_46 = arith.constant 0 : i32
    %dma_wait3A_47 = tpu.memref_slice %arg6[%dma_wait3A_45, %dma_wait3A_46] : memref<10240x64xf32, #tpu.memory_space<vmem_shared>> -> memref<10240x64xf32, #tpu.memory_space<vmem_shared>>
    tpu.wait_indirect_dma semaphore(%arg21 : memref<!tpu.dma_semaphore, #tpu.memory_space<semaphore_mem>>) src(%arg11 : memref<128x64xf32, #tpu.memory_space<vmem>>) dst(%dma_wait3A_47 : memref<10240x64xf32, #tpu.memory_space<vmem_shared>>)
    %dma_wait3A_48 = arith.constant 0 : i32
    %dma_wait3A_49 = arith.constant 0 : i32
    %dma_wait3A_50 = tpu.memref_slice %arg8[%dma_wait3A_48, %dma_wait3A_49] : memref<160x128xi32, #tpu.memory_space<vmem>> -> memref<1x128xi32, #tpu.memory_space<vmem>>
    %dma_wait3A_51 = tpu.memref_squeeze %dma_wait3A_50 : memref<1x128xi32, #tpu.memory_space<vmem>> -> memref<128xi32, #tpu.memory_space<vmem>>
    %dma_wait3A_52 = arith.constant 0 : i32
    %dma_wait3A_53 = arith.constant 0 : i32
    %dma_wait3A_54 = tpu.memref_slice %arg6[%dma_wait3A_52, %dma_wait3A_53] : memref<10240x64xf32, #tpu.memory_space<vmem_shared>> -> memref<10240x64xf32, #tpu.memory_space<vmem_shared>>
    tpu.wait_indirect_dma semaphore(%arg22 : memref<!tpu.dma_semaphore, #tpu.memory_space<semaphore_mem>>) src(%arg12 : memref<128x64xf32, #tpu.memory_space<vmem>>) dst(%dma_wait3A_54 : memref<10240x64xf32, #tpu.memory_space<vmem_shared>>)
    %dma_wait3A_55 = arith.constant 0 : i32
    %dma_wait3A_56 = arith.constant 0 : i32
    %dma_wait3A_57 = tpu.memref_slice %arg8[%dma_wait3A_55, %dma_wait3A_56] : memref<160x128xi32, #tpu.memory_space<vmem>> -> memref<1x128xi32, #tpu.memory_space<vmem>>
    %dma_wait3A_58 = tpu.memref_squeeze %dma_wait3A_57 : memref<1x128xi32, #tpu.memory_space<vmem>> -> memref<128xi32, #tpu.memory_space<vmem>>
    %dma_wait3A_59 = arith.constant 0 : i32
    %dma_wait3A_60 = arith.constant 0 : i32
    %dma_wait3A_61 = tpu.memref_slice %arg6[%dma_wait3A_59, %dma_wait3A_60] : memref<10240x64xf32, #tpu.memory_space<vmem_shared>> -> memref<10240x64xf32, #tpu.memory_space<vmem_shared>>
    tpu.wait_indirect_dma semaphore(%arg23 : memref<!tpu.dma_semaphore, #tpu.memory_space<semaphore_mem>>) src(%arg13 : memref<128x64xf32, #tpu.memory_space<vmem>>) dst(%dma_wait3A_61 : memref<10240x64xf32, #tpu.memory_space<vmem_shared>>)
    %barrier3A_62 = arith.constant 0 : index
    tpu.barrier barrier_id(%barrier3A_62)
    "tpu.region"() ({
      %run_scoped3A_63 = tpu.sem_alloc : memref<!tpu.dma_semaphore, #tpu.memory_space<semaphore_mem>>
      %dma_start3A_64 = arith.constant 0 : i32
      %dma_start3A_65 = arith.constant 0 : i32
      %dma_start3A_66 = tpu.memref_slice %arg5[%arg0, %dma_start3A_64, %dma_start3A_65] : memref<2x10240x64xf32, #tpu.memory_space<hbm>> -> memref<1x10240x64xf32, #tpu.memory_space<hbm>>
      %dma_start3A_67 = tpu.memref_squeeze %dma_start3A_66 : memref<1x10240x64xf32, #tpu.memory_space<hbm>> -> memref<10240x64xf32, #tpu.memory_space<hbm>>
      %dma_start3A_68 = arith.constant 0 : i32
      %dma_start3A_69 = tpu.memref_slice %dma_start3A_67[%mul3A_0, %dma_start3A_68] : memref<10240x64xf32, #tpu.memory_space<hbm>> -> memref<640x64xf32, #tpu.memory_space<hbm>>
      %dma_start3A_70 = arith.constant 0 : i32
      %dma_start3A_71 = tpu.memref_slice %arg6[%mul3A_0, %dma_start3A_70] : memref<10240x64xf32, #tpu.memory_space<vmem_shared>> -> memref<640x64xf32, #tpu.memory_space<vmem_shared>>
      tpu.enqueue_dma source(%dma_start3A_71 : memref<640x64xf32, #tpu.memory_space<vmem_shared>>) target(%dma_start3A_69 : memref<640x64xf32, #tpu.memory_space<hbm>>) target_semaphore(%run_scoped3A_63 : memref<!tpu.dma_semaphore, #tpu.memory_space<semaphore_mem>>)
      %dma_wait3A_72 = arith.constant 0 : i32
      %dma_wait3A_73 = arith.constant 0 : i32
      %dma_wait3A_74 = tpu.memref_slice %arg5[%arg0, %dma_wait3A_72, %dma_wait3A_73] : memref<2x10240x64xf32, #tpu.memory_space<hbm>> -> memref<1x10240x64xf32, #tpu.memory_space<hbm>>
      %dma_wait3A_75 = tpu.memref_squeeze %dma_wait3A_74 : memref<1x10240x64xf32, #tpu.memory_space<hbm>> -> memref<10240x64xf32, #tpu.memory_space<hbm>>
      %dma_wait3A_76 = arith.constant 0 : i32
      %dma_wait3A_77 = tpu.memref_slice %dma_wait3A_75[%mul3A_0, %dma_wait3A_76] : memref<10240x64xf32, #tpu.memory_space<hbm>> -> memref<640x64xf32, #tpu.memory_space<hbm>>
      %dma_wait3A_78 = arith.constant 0 : i32
      %dma_wait3A_79 = tpu.memref_slice %arg6[%mul3A_0, %dma_wait3A_78] : memref<10240x64xf32, #tpu.memory_space<vmem_shared>> -> memref<640x64xf32, #tpu.memory_space<vmem_shared>>
      tpu.wait_dma2 semaphore(%run_scoped3A_63 : memref<!tpu.dma_semaphore, #tpu.memory_space<semaphore_mem>>) src(%dma_wait3A_79 : memref<640x64xf32, #tpu.memory_space<vmem_shared>>) dst(%dma_wait3A_77 : memref<640x64xf32, #tpu.memory_space<hbm>>)
      tpu.yield
    }) : () -> ()
    return
  }
}

module attributes {stable_mosaic.version = 14 : i64} {
  func.func @_stage1_body(%arg0: i32, %arg1: memref<2000x1xf32, #tpu.memory_space<vmem>>, %arg2: memref<2000x128xf32, #tpu.memory_space<vmem>>, %arg3: memref<128x128xf32, #tpu.memory_space<vmem>>, %arg4: memref<2x2000x64xf32, #tpu.memory_space<vmem>>, %arg5: memref<2000x1xf32, #tpu.memory_space<vmem>>) attributes {dimension_semantics = [#tpu.dimension_semantics<arbitrary>], iteration_bounds = array<i64: 5>, scalar_prefetch = 0 : i64, scratch_operands = 0 : i64, tpu.core_type = #tpu.core_type<tc>, window_params = [{transform_indices = @transform_0, window_bounds = array<i64: 2000, 1>}, {transform_indices = @transform_1, window_bounds = array<i64: 2000, 128>}, {pipeline_mode = #tpu.pipeline_mode<synchronous>, transform_indices = @transform_2, window_bounds = array<i64: 128, 128>}, {transform_indices = @transform_3, window_bounds = array<i64: 2, 2000, 64>}, {transform_indices = @transform_4, window_bounds = array<i64: 2000, 1>}]} {
    %get3A = arith.constant 0 : index
    %get3A_0 = arith.constant 0 : index
    %get3A_1 = vector.load %arg1[%get3A, %get3A_0] : memref<2000x1xf32, #tpu.memory_space<vmem>>, vector<2000x1xf32>
    %gt3A = arith.constant 0.000000e+00 : f32
    %gt3A_2 = vector.broadcast %gt3A : f32 to vector<2000x1xf32>
    %gt3A_3 = arith.cmpf ogt, %get3A_1, %gt3A_2 : vector<2000x1xf32>
    %rsqrt3A = math.rsqrt %get3A_1 : vector<2000x1xf32>
    %jit3A = arith.constant 0.000000e+00 : f32
    %broadcast_in_dim3A = vector.broadcast %jit3A : f32 to vector<2000x1xf32>
    %select_n3A = arith.select %gt3A_3, %rsqrt3A, %broadcast_in_dim3A : vector<2000x1xi1>, vector<2000x1xf32>
    %get3A_4 = arith.constant 0 : index
    %get3A_5 = arith.constant 0 : index
    %get3A_6 = vector.load %arg2[%get3A_4, %get3A_5] : memref<2000x128xf32, #tpu.memory_space<vmem>>, vector<2000x128xf32>
    %get3A_7 = arith.constant 0 : index
    %get3A_8 = arith.constant 0 : index
    %get3A_9 = vector.load %arg3[%get3A_7, %get3A_8] : memref<128x128xf32, #tpu.memory_space<vmem>>, vector<128x128xf32>
    %dot_general3A = arith.constant dense<0.000000e+00> : vector<2000x128xf32>
    %dot_general3A_10 = tpu.matmul %get3A_6, %get3A_9, %dot_general3A {dimension_numbers = #tpu.dot_dimension_numbers<[1], [0], [0], [1], [0, 0, 1, 1], [], []>, transpose_lhs_hint = false} : vector<2000x128xf32>, vector<128x128xf32>, vector<2000x128xf32> -> vector<2000x128xf32>
    %mul3A = vector.broadcast %select_n3A : vector<2000x1xf32> to vector<2000x128xf32>
    %mul3A_11 = arith.mulf %dot_general3A_10, %mul3A : vector<2000x128xf32>
    %slice3A = vector.extract_strided_slice %mul3A_11 {offsets = [0, 0], sizes = [2000, 64], strides = [1, 1]} : vector<2000x128xf32> to vector<2000x64xf32>
    %swap3A = arith.constant 0 : index
    %swap3A_12 = arith.constant 0 : index
    %swap3A_13 = arith.constant 0 : index
    %swap3A_14 = vector.load %arg4[%swap3A, %swap3A_12, %swap3A_13] : memref<2x2000x64xf32, #tpu.memory_space<vmem>>, vector<1x2000x64xf32>
    %swap3A_15 = vector.shape_cast %swap3A_14 : vector<1x2000x64xf32> to vector<2000x64xf32>
    %swap3A_16 = vector.shape_cast %slice3A : vector<2000x64xf32> to vector<1x2000x64xf32>
    tpu.vector_store %arg4[%swap3A, %swap3A_12, %swap3A_13], %swap3A_16 {strides = array<i32>} : memref<2x2000x64xf32, #tpu.memory_space<vmem>>, vector<1x2000x64xf32>,
    %slice3A_17 = vector.extract_strided_slice %mul3A_11 {offsets = [0, 64], sizes = [2000, 64], strides = [1, 1]} : vector<2000x128xf32> to vector<2000x64xf32>
    %swap3A_18 = arith.constant 1 : index
    %swap3A_19 = arith.constant 0 : index
    %swap3A_20 = arith.constant 0 : index
    %swap3A_21 = vector.load %arg4[%swap3A_18, %swap3A_19, %swap3A_20] : memref<2x2000x64xf32, #tpu.memory_space<vmem>>, vector<1x2000x64xf32>
    %swap3A_22 = vector.shape_cast %swap3A_21 : vector<1x2000x64xf32> to vector<2000x64xf32>
    %swap3A_23 = vector.shape_cast %slice3A_17 : vector<2000x64xf32> to vector<1x2000x64xf32>
    tpu.vector_store %arg4[%swap3A_18, %swap3A_19, %swap3A_20], %swap3A_23 {strides = array<i32>} : memref<2x2000x64xf32, #tpu.memory_space<vmem>>, vector<1x2000x64xf32>,
    %swap3A_24 = arith.constant 0 : index
    %swap3A_25 = arith.constant 0 : index
    %swap3A_26 = vector.load %arg5[%swap3A_24, %swap3A_25] : memref<2000x1xf32, #tpu.memory_space<vmem>>, vector<2000x1xf32>
    tpu.vector_store %arg5[%swap3A_24, %swap3A_25], %select_n3A {strides = array<i32>} : memref<2000x1xf32, #tpu.memory_space<vmem>>, vector<2000x1xf32>,
    return
  }
  func.func @transform_0(%arg0: i32) -> (i32, i32) {
    %c0_i32 = arith.constant 0 : i32
    %c0_i32_0 = arith.constant 0 : i32
    return %arg0, %c0_i32 : i32, i32
  }
  func.func @transform_1(%arg0: i32) -> (i32, i32) {
    %c0_i32 = arith.constant 0 : i32
    %c0_i32_0 = arith.constant 0 : i32
    return %arg0, %c0_i32 : i32, i32
  }
  func.func @transform_2(%arg0: i32) -> (i32, i32) {
    %c0_i32 = arith.constant 0 : i32
    %c0_i32_0 = arith.constant 0 : i32
    %c0_i32_1 = arith.constant 0 : i32
    return %c0_i32, %c0_i32_0 : i32, i32
  }
  func.func @transform_3(%arg0: i32) -> (i32, i32, i32) {
    %c0_i32 = arith.constant 0 : i32
    %c0_i32_0 = arith.constant 0 : i32
    %c0_i32_1 = arith.constant 0 : i32
    return %c0_i32, %arg0, %c0_i32_0 : i32, i32, i32
  }
  func.func @transform_4(%arg0: i32) -> (i32, i32) {
    %c0_i32 = arith.constant 0 : i32
    %c0_i32_0 = arith.constant 0 : i32
    return %arg0, %c0_i32 : i32, i32
  }
}

module attributes {stable_mosaic.version = 14 : i64} {
  func.func @_stage2_body(%arg0: i32, %arg1: memref<1x2000x64xf32, #tpu.memory_space<vmem>>, %arg2: memref<1x2000x64xf32, #tpu.memory_space<vmem>>, %arg3: memref<2000x1xf32, #tpu.memory_space<vmem>>, %arg4: memref<1x128xf32, #tpu.memory_space<vmem>>, %arg5: memref<128x40xf32, #tpu.memory_space<vmem>>, %arg6: memref<2000x40xf32, #tpu.memory_space<vmem>>) attributes {dimension_semantics = [#tpu.dimension_semantics<arbitrary>], iteration_bounds = array<i64: 5>, scalar_prefetch = 0 : i64, scratch_operands = 0 : i64, tpu.core_type = #tpu.core_type<tc>, window_params = [{transform_indices = @transform_0, window_bounds = array<i64: 1, 2000, 64>}, {transform_indices = @transform_1, window_bounds = array<i64: 1, 2000, 64>}, {transform_indices = @transform_2, window_bounds = array<i64: 2000, 1>}, {pipeline_mode = #tpu.pipeline_mode<synchronous>, transform_indices = @transform_3, window_bounds = array<i64: 1, 128>}, {pipeline_mode = #tpu.pipeline_mode<synchronous>, transform_indices = @transform_4, window_bounds = array<i64: 128, 40>}, {transform_indices = @transform_5, window_bounds = array<i64: 2000, 40>}]} {
    %get3A = arith.constant 0 : index
    %get3A_0 = arith.constant 0 : index
    %get3A_1 = vector.load %arg3[%get3A, %get3A_0] : memref<2000x1xf32, #tpu.memory_space<vmem>>, vector<2000x1xf32>
    %get3A_2 = arith.constant 0 : index
    %get3A_3 = arith.constant 0 : index
    %get3A_4 = arith.constant 0 : index
    %get3A_5 = vector.load %arg1[%get3A_2, %get3A_3, %get3A_4] : memref<1x2000x64xf32, #tpu.memory_space<vmem>>, vector<1x2000x64xf32>
    %get3A_6 = vector.shape_cast %get3A_5 : vector<1x2000x64xf32> to vector<2000x64xf32>
    %get3A_7 = arith.constant 0 : index
    %get3A_8 = arith.constant 0 : index
    %get3A_9 = arith.constant 0 : index
    %get3A_10 = vector.load %arg2[%get3A_7, %get3A_8, %get3A_9] : memref<1x2000x64xf32, #tpu.memory_space<vmem>>, vector<1x2000x64xf32>
    %get3A_11 = vector.shape_cast %get3A_10 : vector<1x2000x64xf32> to vector<2000x64xf32>
    %concatenate3A = tpu.concatenate %get3A_6, %get3A_11 in 1 : vector<2000x64xf32>, vector<2000x64xf32> -> vector<2000x128xf32>
    %mul3A = vector.broadcast %get3A_1 : vector<2000x1xf32> to vector<2000x128xf32>
    %mul3A_12 = arith.mulf %concatenate3A, %mul3A : vector<2000x128xf32>
    %get3A_13 = arith.constant 0 : index
    %get3A_14 = arith.constant 0 : index
    %get3A_15 = vector.load %arg4[%get3A_13, %get3A_14] : memref<1x128xf32, #tpu.memory_space<vmem>>, vector<1x128xf32>
    %add3A = vector.broadcast %get3A_15 : vector<1x128xf32> to vector<2000x128xf32>
    %add3A_16 = arith.addf %mul3A_12, %add3A : vector<2000x128xf32>
    %max3A = arith.constant 0.000000e+00 : f32
    %max3A_17 = vector.broadcast %max3A : f32 to vector<2000x128xf32>
    %max3A_18 = arith.maximumf %add3A_16, %max3A_17 : vector<2000x128xf32>
    %get3A_19 = arith.constant 0 : index
    %get3A_20 = arith.constant 0 : index
    %get3A_21 = vector.load %arg5[%get3A_19, %get3A_20] : memref<128x40xf32, #tpu.memory_space<vmem>>, vector<128x40xf32>
    %dot_general3A = arith.constant dense<0.000000e+00> : vector<2000x40xf32>
    %dot_general3A_22 = tpu.matmul %max3A_18, %get3A_21, %dot_general3A {dimension_numbers = #tpu.dot_dimension_numbers<[1], [0], [0], [1], [0, 0, 1, 1], [], []>, transpose_lhs_hint = false} : vector<2000x128xf32>, vector<128x40xf32>, vector<2000x40xf32> -> vector<2000x40xf32>
    %mul3A_23 = vector.broadcast %get3A_1 : vector<2000x1xf32> to vector<2000x40xf32>
    %mul3A_24 = arith.mulf %dot_general3A_22, %mul3A_23 : vector<2000x40xf32>
    %swap3A = arith.constant 0 : index
    %swap3A_25 = arith.constant 0 : index
    %swap3A_26 = vector.load %arg6[%swap3A, %swap3A_25] : memref<2000x40xf32, #tpu.memory_space<vmem>>, vector<2000x40xf32>
    tpu.vector_store %arg6[%swap3A, %swap3A_25], %mul3A_24 {strides = array<i32>} : memref<2000x40xf32, #tpu.memory_space<vmem>>, vector<2000x40xf32>,
    return
  }
  func.func @transform_0(%arg0: i32) -> (i32, i32, i32) {
    %c0_i32 = arith.constant 0 : i32
    %c0_i32_0 = arith.constant 0 : i32
    %c0_i32_1 = arith.constant 0 : i32
    return %c0_i32, %arg0, %c0_i32_0 : i32, i32, i32
  }
  func.func @transform_1(%arg0: i32) -> (i32, i32, i32) {
    %c1_i32 = arith.constant 1 : i32
    %c0_i32 = arith.constant 0 : i32
    %c0_i32_0 = arith.constant 0 : i32
    return %c1_i32, %arg0, %c0_i32 : i32, i32, i32
  }
  func.func @transform_2(%arg0: i32) -> (i32, i32) {
    %c0_i32 = arith.constant 0 : i32
    %c0_i32_0 = arith.constant 0 : i32
    return %arg0, %c0_i32 : i32, i32
  }
  func.func @transform_3(%arg0: i32) -> (i32, i32) {
    %c0_i32 = arith.constant 0 : i32
    %c0_i32_0 = arith.constant 0 : i32
    %c0_i32_1 = arith.constant 0 : i32
    return %c0_i32, %c0_i32_0 : i32, i32
  }
  func.func @transform_4(%arg0: i32) -> (i32, i32) {
    %c0_i32 = arith.constant 0 : i32
    %c0_i32_0 = arith.constant 0 : i32
    %c0_i32_1 = arith.constant 0 : i32
    return %c0_i32, %c0_i32_0 : i32, i32
  }
  func.func @transform_5(%arg0: i32) -> (i32, i32) {
    %c0_i32 = arith.constant 0 : i32
    %c0_i32_0 = arith.constant 0 : i32
    return %arg0, %c0_i32 : i32, i32
  }
}

module attributes {stable_mosaic.version = 14 : i64} {
  func.func @_stage3_body(%arg0: i32, %arg1: memref<1x2000x40xf32, #tpu.memory_space<vmem>>, %arg2: memref<1x2000x40xf32, #tpu.memory_space<vmem>>, %arg3: memref<2000x1xf32, #tpu.memory_space<vmem>>, %arg4: memref<1x40xf32, #tpu.memory_space<vmem>>, %arg5: memref<2000x40xf32, #tpu.memory_space<vmem>>) attributes {dimension_semantics = [#tpu.dimension_semantics<arbitrary>], iteration_bounds = array<i64: 5>, scalar_prefetch = 0 : i64, scratch_operands = 0 : i64, tpu.core_type = #tpu.core_type<tc>, window_params = [{transform_indices = @transform_0, window_bounds = array<i64: 1, 2000, 40>}, {transform_indices = @transform_1, window_bounds = array<i64: 1, 2000, 40>}, {transform_indices = @transform_2, window_bounds = array<i64: 2000, 1>}, {pipeline_mode = #tpu.pipeline_mode<synchronous>, transform_indices = @transform_3, window_bounds = array<i64: 1, 40>}, {transform_indices = @transform_4, window_bounds = array<i64: 2000, 40>}]} {
    %get3A = arith.constant 0 : index
    %get3A_0 = arith.constant 0 : index
    %get3A_1 = arith.constant 0 : index
    %get3A_2 = vector.load %arg1[%get3A, %get3A_0, %get3A_1] : memref<1x2000x40xf32, #tpu.memory_space<vmem>>, vector<1x2000x40xf32>
    %get3A_3 = vector.shape_cast %get3A_2 : vector<1x2000x40xf32> to vector<2000x40xf32>
    %get3A_4 = arith.constant 0 : index
    %get3A_5 = arith.constant 0 : index
    %get3A_6 = arith.constant 0 : index
    %get3A_7 = vector.load %arg2[%get3A_4, %get3A_5, %get3A_6] : memref<1x2000x40xf32, #tpu.memory_space<vmem>>, vector<1x2000x40xf32>
    %get3A_8 = vector.shape_cast %get3A_7 : vector<1x2000x40xf32> to vector<2000x40xf32>
    %add3A = arith.addf %get3A_3, %get3A_8 : vector<2000x40xf32>
    %get3A_9 = arith.constant 0 : index
    %get3A_10 = arith.constant 0 : index
    %get3A_11 = vector.load %arg3[%get3A_9, %get3A_10] : memref<2000x1xf32, #tpu.memory_space<vmem>>, vector<2000x1xf32>
    %mul3A = vector.broadcast %get3A_11 : vector<2000x1xf32> to vector<2000x40xf32>
    %mul3A_12 = arith.mulf %add3A, %mul3A : vector<2000x40xf32>
    %get3A_13 = arith.constant 0 : index
    %get3A_14 = arith.constant 0 : index
    %get3A_15 = vector.load %arg4[%get3A_13, %get3A_14] : memref<1x40xf32, #tpu.memory_space<vmem>>, vector<1x40xf32>
    %add3A_16 = vector.broadcast %get3A_15 : vector<1x40xf32> to vector<2000x40xf32>
    %add3A_17 = arith.addf %mul3A_12, %add3A_16 : vector<2000x40xf32>
    %swap3A = arith.constant 0 : index
    %swap3A_18 = arith.constant 0 : index
    %swap3A_19 = vector.load %arg5[%swap3A, %swap3A_18] : memref<2000x40xf32, #tpu.memory_space<vmem>>, vector<2000x40xf32>
    tpu.vector_store %arg5[%swap3A, %swap3A_18], %add3A_17 {strides = array<i32>} : memref<2000x40xf32, #tpu.memory_space<vmem>>, vector<2000x40xf32>,
    return
  }
  func.func @transform_0(%arg0: i32) -> (i32, i32, i32) {
    %c0_i32 = arith.constant 0 : i32
    %c0_i32_0 = arith.constant 0 : i32
    %c0_i32_1 = arith.constant 0 : i32
    return %c0_i32, %arg0, %c0_i32_0 : i32, i32, i32
  }
  func.func @transform_1(%arg0: i32) -> (i32, i32, i32) {
    %c1_i32 = arith.constant 1 : i32
    %c0_i32 = arith.constant 0 : i32
    %c0_i32_0 = arith.constant 0 : i32
    return %c1_i32, %arg0, %c0_i32 : i32, i32, i32
  }
  func.func @transform_2(%arg0: i32) -> (i32, i32) {
    %c0_i32 = arith.constant 0 : i32
    %c0_i32_0 = arith.constant 0 : i32
    return %arg0, %c0_i32 : i32, i32
  }
  func.func @transform_3(%arg0: i32) -> (i32, i32) {
    %c0_i32 = arith.constant 0 : i32
    %c0_i32_0 = arith.constant 0 : i32
    %c0_i32_1 = arith.constant 0 : i32
    return %c0_i32, %c0_i32_0 : i32, i32
  }
  func.func @transform_4(%arg0: i32) -> (i32, i32) {
    %c0_i32 = arith.constant 0 : i32
    %c0_i32_0 = arith.constant 0 : i32
    return %arg0, %c0_i32 : i32, i32
  }
}

</mosaic_0001>

<sc_bundles>
// kernel: kernel.11.cloned.1.call-start
scs
__scs_entry_jumppad:
0x0: {  	(pc) =	sbr.rel $0x88, $3  }
0x1: {  	(tag) =	ssettag $0x0;
	lr =	simm.s32 $0x1  }
0x2: {  	[smem:$0x3F9B] =	sst lr;
	_ =	strace $0xD0000000  }
0x3: {  	_ = 	snop  }
0x4: {  	_ = 	snop  }
0x5: {  	_ = 	snop  }
0x6: {  	_ = 	snop  }
0x7: {  	_ = 	snop  }
__scs_overlays_trampoline_lowered:
0x8: {  	[smem:$0x3FAA] =	sst s0  }
0x9: {  	[smem:$0x3FAB] =	sst s1  }
0xa: {  	[smem:$0x3FAC] =	sst s2  }
0xb: {  	[smem:$0x3FAD] =	sst s3  }
0xc: {  	[smem:$0x3FAE] =	sst s4  }
0xd: {  	[smem:$0x3FAF] =	sst s5  }
0xe: {  	[smem:$0x3FB0] =	sst s6  }
0xf: {  	[smem:$0x3FB1] =	sst s7  }
0x10: {  	[smem:$0x3FB2] =	sst s8  }
0x11: {  	[smem:$0x3FB3] =	sst s9;
	s0 =	simm.s32 @!p0 $0x0  }
0x12: {  	s1 =	sld [smem:$0x3F99];
	s0 =	simm.s32 @p0 $0x1  }
0x13: {  	[smem:$0x3FB4] =	sst s0;
	s0 =	simm.s32 @!p1 $0x0  }
0x14: {  	s2 =	sld [smem:$0x3F98];
	s0 =	simm.s32 @p1 $0x1  }
0x15: {  	[smem:$0x3FB5] =	sst s0;
	s0 =	simm.s32 @!p2 $0x0  }
0x16: {  	s3 =	sld [smem:$0x3FDB];
	s0 =	simm.s32 @p2 $0x1  }
0x17: {  	s4 =	simm.s32 $0x1BF5;
	[smem:$0x3FB7] =	sst s0  }
0x18: {  	s0 =	sld [smem:$0x3F9A];
	_ =	swait.ge [sflag:s4], $0x0  }
0x19: {  	s7 =	sld [smem:$0x3F9B]  }
0x1a: {  	s8 =	sadd.s32 $0xFFFFE003, lr  }
0x1b: {  	s9 =	sadd.s32 $0xFFFFFEF7, lr;
	s5 =	simm.s32 $0xFFFFFFFF;
	p2 =	slt.u32 s8, $0xFFFFF086  }
0x1c: {  	p1 =	slt.u32 s9, $0xF7A;
	s5 =	simm.s32 @!p2 $0x0  }
0x1d: {  	s5 =	simm.s32 @p1 $0x1;
	p0 =	seq.s32 s7, s2  }
0x1e: {  	s7 =	smul.u32 @!p0 $0xF7A, s2;
	p2 =	seq.s32 @!p0 s5, $0x0  }
0x1f: {  	s9 =	smul.u32 $0xF7A, s1;
	s8 =	simm.s32 @!p0 $0x1BF5;
	p2 =	por !p2, p0  }
0x20: {  	[sflag:s8] =	ssyncset.s32 @!p0 $0xFFFFF086;
	s6 =	sadd.s32 @!p0 s3, s7;
	s7 =	simm.s32 @!p0 $0x108  }
0x21: {  	s3 =	sadd.s32 s3, s9;
	s6 =	sadd.s32 @!p0 $0x88, s6;
	s7 =	simm.s32 @p2 $0x1082  }
0x22: {  	[simem:s7], [sflag:s8] =	dma.local @!p0 [hbm:s6], $0xF7A  }
0x23: {  	s9 =	sor.u32 $0xD0000000, s2;
	s6 =	simm.s32 $0x108;
	_ =	swait.ge @!p0 [sflag:s8], $0x0  }
0x24: {  	s3 =	sadd.s32 $0x88, s3;
	s6 =	simm.s32 @!p1 $0x1082;
	[sflag:s4] =	ssyncset.s32 $0xFFFFF086  }
0x25: {  	[simem:s6], [sflag:s4] =	dma.local [hbm:s3], $0xF7A  }
0x26: {  	[smem:$0x3F9B] =	sst s1;
	(tag) =	ssettag s2;
	_ =	strace s9  }
0x27: {  	s1 =	sld [smem:$0x3FAB]  }
0x28: {  	s2 =	sld [smem:$0x3FAC]  }
0x29: {  	s4 =	sld [smem:$0x3FAE]  }
0x2a: {  	p0 =	seq.s32 s5, $0x0;
	s5 =	sld [smem:$0x3FAF]  }
0x2b: {  	s6 =	sld [smem:$0x3FB0]  }
0x2c: {  	s7 =	sld [smem:$0x3FB1]  }
0x2d: {  	s3 =	simm.s32 $0x108;
	s8 =	sld [smem:$0x3FB2]  }
0x2e: {  	s3 =	simm.s32 @!p0 $0x1082;
	s9 =	sld [smem:$0x3FB3]  }
0x2f: {  	lr =	sadd.s32 s0, s3;
	s0 =	sld [smem:$0x3FAA]  }
0x30: {  	s3 =	sld [smem:$0x3FAD]  }
0x31: {  	[smem:$0x3FB6] =	sst s10  }
0x32: {  	s10 =	sld [smem:$0x3FB4];
	_ =	sdelay $0x3  }
0x33: {  	p0 =	seq.s32 s10, $0x1;
	s10 =	sld [smem:$0x3FB6];
	_ =	sdelay $0x3  }
0x34: {  	[smem:$0x3FB6] =	sst s10  }
0x35: {  	s10 =	sld [smem:$0x3FB5];
	_ =	sdelay $0x3  }
0x36: {  	p1 =	seq.s32 s10, $0x1;
	s10 =	sld [smem:$0x3FB6];
	_ =	sdelay $0x3  }
0x37: {  	[smem:$0x3FB6] =	sst s10  }
0x38: {  	s10 =	sld [smem:$0x3FB7]  }
0x39: {  	_ = 	snop;
	(pc) =	sbr.ind lr, $3  }
0x3a: {  	_ = 	snop  }
0x3b: {  	_ = 	snop  }
0x3c: {  	p2 =	seq.s32 s10, $0x1;
	s10 =	sld [smem:$0x3FB6]  }
0x3d: {  	_ =	shalt  }
0x3e: {  	_ =	shalt  }
0x3f: {  	_ =	shalt  }
0x40: {  	_ =	shalt  }
0x41: {  	_ =	shalt  }
0x42: {  	_ =	shalt  }
0x43: {  	_ =	shalt  }
0x44: {  	_ =	shalt  }
0x45: {  	_ =	shalt  }
0x46: {  	_ =	shalt  }
0x47: {  	_ =	shalt  }
0x48: {  	_ =	shalt  }
0x49: {  	_ =	shalt  }
0x4a: {  	_ =	shalt  }
0x4b: {  	_ =	shalt  }
0x4c: {  	_ =	shalt  }
0x4d: {  	_ =	shalt  }
0x4e: {  	_ =	shalt  }
0x4f: {  	_ =	shalt  }
0x50: {  	_ =	shalt  }
0x51: {  	_ =	shalt  }
0x52: {  	_ =	shalt  }
0x53: {  	_ =	shalt  }
0x54: {  	_ =	shalt  }
0x55: {  	_ =	shalt  }
0x56: {  	_ =	shalt  }
0x57: {  	_ =	shalt  }
0x58: {  	_ =	shalt  }
0x59: {  	_ =	shalt  }
0x5a: {  	_ =	shalt  }
0x5b: {  	_ =	shalt  }
0x5c: {  	_ =	shalt  }
0x5d: {  	_ =	shalt  }
0x5e: {  	_ =	shalt  }
0x5f: {  	_ =	shalt  }
0x60: {  	_ =	shalt  }
0x61: {  	_ =	shalt  }
0x62: {  	_ =	shalt  }
0x63: {  	_ =	shalt  }
0x64: {  	_ =	shalt  }
0x65: {  	_ =	shalt  }
0x66: {  	_ =	shalt  }
0x67: {  	_ =	shalt  }
0x68: {  	_ =	shalt  }
0x69: {  	_ =	shalt  }
0x6a: {  	_ =	shalt  }
0x6b: {  	_ =	shalt  }
0x6c: {  	_ =	shalt  }
0x6d: {  	_ =	shalt  }
0x6e: {  	_ =	shalt  }
0x6f: {  	_ =	shalt  }
0x70: {  	_ =	shalt  }
0x71: {  	_ =	shalt  }
0x72: {  	_ =	shalt  }
0x73: {  	_ =	shalt  }
0x74: {  	_ =	shalt  }
0x75: {  	_ =	shalt  }
0x76: {  	_ =	shalt  }
0x77: {  	_ =	shalt  }
0x78: {  	_ =	shalt  }
0x79: {  	_ =	shalt  }
0x7a: {  	_ =	shalt  }
0x7b: {  	_ =	shalt  }
0x7c: {  	_ =	shalt  }
0x7d: {  	_ =	shalt  }
0x7e: {  	_ =	shalt  }
0x7f: {  	_ =	shalt  }
0x80: {  	_ =	shalt  }
0x81: {  	_ =	shalt  }
0x82: {  	_ =	shalt  }
0x83: {  	_ =	shalt  }
0x84: {  	_ =	shalt  }
0x85: {  	_ =	shalt  }
0x86: {  	_ =	shalt  }
0x87: {  	_ =	shalt  }
.Lfunc_end0:
.L_simem_size_0:
called_computation.1_lowered:
.L_overlay_start_0:
0x88: {  	s2 =	sld [smem:$0x3FD9]  }
0x89: {  	s3 =	sld [smem:$0x3FFE];
	_ =	sdelay $0x1  }
0x8a: {  	s1 =	srdreg.scid  }
0x8b: {  	s0 =	sand.u32 $0x1, s1  }
0x8c: {  	s17 =	sshll.u32 s0, $0xA;
	s2 =	sadd.s32 s3, s2  }
0x8d: {  	s2 =	sadd.s32 s2, s17  }
0x8e: {  	[smem:$0x3FC2] =	sst s2  }
0x8f: {  	_ = 	snop  }
0x90: {  	s2 =	sld [smem:$0x3FD0];
	(tm) =	ssettm $0x1  }
0x91: {  	s18 =	sld [smem:$0x3FFB];
	_ =	sdelay $0x3  }
0x92: {  	_ =	strace s18  }
0x93: {  	s3 =	sld [smem:$0x3FFC];
	_ =	sdelay $0x3  }
0x94: {  	_ =	strace s3  }
0x95: {  	s3 =	sld [smem:$0x3FFD];
	_ =	sdelay $0x3  }
0x96: {  	_ =	strace s3  }
0x97: {  	_ =	strace $0x8FFFFFFF  }
0x98: {  	s19 =	sld [smem:$0x3FDB];
	_ =	sdelay $0x1  }
0x99: {  	s4 =	simm.s32 $_scs_section_size  }
0x9a: {  	s5 =	simm.s32 $_size__tile_overlayer_lowered;
	s6 =	simm.s32 $_tile_overlayer_lowered  }
0x9b: {  	s22 =	simm.s32 $0x1BFF;
	s21 =	sshll.u32 s6, $0x1;
	s3 =	sadd.s32 s4, s19  }
0x9c: {  	s7 =	simm.s32 $0x0;
	s20 =	sshll.u32 s5, $0x1;
	s5 =	sadd.s32 s21, s3  }
0x9d: {  	[timem:s7], [sflag:s22] =	dma.local [hbm:s5], s20  }
0x9e: {  	_ =	swait.ge [sflag:s22], s20  }
0x9f: {  	s4 =	ssub.s32 $0x0, s20;
	[sflag:s22] =	ssyncset.done $0x0  }
0xa0: {  	[sflag:s22] =	ssyncadd.s32 s4;
	_ =	sdelay $0x1  }
0xa1: {  	s23 =	simm.s32 $0x1B8B  }
0xa2: {  	_ =	swait.ge [sflag:s23], $0x1  }
0xa3: {  	[sflag:s23] =	ssyncset.done $0x0  }
0xa4: {  	s25 =	simm.s32 $0x1B8E;
	s24 =	sld [smem:$0x3FFE];
	[sflag:s23] =	ssyncadd.s32 $0xFFFFFFFF  }
0xa5: {  	s26 =	simm.s32 $execute0_lowered;
	[smem:$0x3FD2] =	sst s25  }
0xa6: {  	s5 =	sshll.u32 s26, $0x1;
	_ =	strace $0x80000049;
	[dreg:$0x1] =	wrdreg $0xFFFFFFFF  }
0xa7: {  	s28 =	simm.s32 $_size_execute0_lowered;
	s3 =	sadd.s32 s3, s5;
	[dreg:$0x0] =	wrdreg $0x0  }
0xa8: {  	s5 =	sshll.u32 s28, $0x1;
	[dreg:$0x2] =	wrdreg s3  }
0xa9: {  	[dreg:$0x3] =	wrdreg s5  }
0xaa: {  	[dreg:$0x4] =	wrdreg $0xC0  }
0xab: {  	_ =	task [dreg:s7], $0x5FFFF  }
0xac: {  	[dreg:$0x1] =	wrdreg $0xFFFFFFFF  }
0xad: {  	[dreg:$0x0] =	wrdreg $0x60  }
0xae: {  	[dreg:$0x2] =	wrdreg s24  }
0xaf: {  	[dreg:$0x3] =	wrdreg s2  }
0xb0: {  	[dreg:$0x4] =	wrdreg $0x0  }
0xb1: {  	[dreg:$0x5] =	wrdreg $0x9  }
0xb2: {  	_ =	task.clear_ibuf [dreg:s7], $0x6FFFF;
	_ =	strace $0x90000049  }
0xb3: {  	s29 =	simm.s32 $0x9;
	_ =	strace $0x8000004B  }
0xb4: {  	_ =	swait.ge [sflag:s29], $0x1  }
0xb5: {  	[sflag:s29] =	ssyncadd.s32 $0xFFFFFFFF  }
0xb6: {  	_ =	strace $0x9000004B  }
0xb7: {  	_ =	sfence  }
0xb8: {  	s30 =	sld [smem:$0x0];
	_ =	sdelay $0x2  }
0xb9: {  	s31 =	sshll.u32 s1, $0xD;
	s1 =	sshrl.u32 s1, $0x2  }
0xba: {  	s3 =	sand.u32 $0x4000, s31;
	s1 =	sadd.s32 s1, s30  }
0xbb: {  	s0 =	sor.u32 s3, s0;
	s1 =	sshll.u32 s1, $0x11  }
0xbc: {  	s0 =	sor.u32 s1, s0  }
0xbd: {  	s0 =	sadd.s32 $0x8F2B, s0  }
0xbe: {  	[sflag:s0] =	ssyncadd.remote.s32 $0x1  }
0xbf: {  	_ =	sfence.sel $0xFFFF  }
0xc0: {  	[dreg:$0x0] =	wrdreg $0xFFFFFFFF;
	(pc) =	sbr.abs _section_cstart, $3  }
0xc1: {  	[dreg:$0x1] =	wrdreg $0xFFFFFFFF  }
0xc2: {  	_ =	task.clear_ibuf [dreg:s7], $0x2FFFF;
	_ =	strace $0x9FFFFFFF  }
0xc3: {  	(tm) =	ssettm $0x7FFFFFFF  }
tec
execute0_lowered:
.L_overlay_start_1:
0x0: {  	(tag) =	ssettag $0x1  }
0x1: {  	s0 =	rddreg [dreg:$0x0]  }
0x2: {  	s3 =	rddreg [dreg:$0x2]  }
0x3: {  	s2 =	simm.s32 $0x0;
	s7 =	stileid.u32;
	s1 =	srdreg.scid  }
0x4: {  	s10 =	simm.s32 $0xB;
	s11 =	simm.s32 $0xA000;
	s13 =	simm.s32 $0xF000  }
0x5: {  	s14 =	simm.s32 $0x80;
	s15 =	simm.s32 $0x14000;
	s17 =	simm.s32 $0x16000  }
0x6: {  	s18 =	simm.s32 $0x1;
	s20 =	simm.s32 $0x18000;
	s21 =	simm.s32 $0x2  }
0x7: {  	s25 =	simm.s32 $0x1A000;
	s30 =	simm.s32 $0x1C000;
	s31 =	simm.s32 $0x4  }
0x8: {  	s22 =	simm.s32 $0x7;
	s28 =	simm.s32 $0x8;
	s29 =	simm.s32 $0x9  }
0x9: {  	[smem:$0x7FF] =	sst s2;
	s26 =	smul.u32 $0xA00, s7;
	s1 =	sand.u32 $0x1, s1  }
0xa: {  	s8 =	smul.u32 $0xA000, s7;
	s7 =	sshll.u32 s7, $0x6;
	s2 =	simm.s32 $0x0  }
0xb: {  	_ =	strace $0x8000004A;
	s4 =	smul.u32 $0x14000, s1;
	s1 =	ssub.s32 $0x2, s1  }
0xc: {  	s6 =	sadd.s32 s26, s0;
	s5 =	sshrl.u32 s1, $0x1;
	s9 =	sadd.s32 s8, s3  }
0xd: {  	s16 =	sshrl.u32 s8, $0x3;
	s4 =	sadd.s32 s4, s0;
	s1 =	ssub.s32 s1, s5  }
.Ltmp0:
0xe: {  	s5 =	sor.u32 $0x1C0B, s7;
	s6 =	sadd.s32 $0x1E00, s6;
	(pc) =	sbr.rel .LBB2_1-.Ltmp0, $4  }
0xf: {  	s0 =	sadd.s32 $0xBE00, s0;
	s9 =	sshrl.u32 s9, $0x3;
	[dreg:$0x4] =	wrdreg s6  }
0x10: {  	s7 =	sadd.s32 $0x65E00, s4;
	s4 =	sadd.s32 $0x15E00, s4;
	s8 =	smax.u32 s1, $0x1  }
0x11: {  	s12 =	sadd.s32 s26, s0;
	s26 =	simm.s32 $0x3;
	s1 =	simm.s32 $0x6  }
0x12: {  	s0 =	simm.s32 $0xA;
	s24 =	sadd.s32 s16, s4;
	s16 =	simm.s32 $0x5  }
.LBB2_4:
0x13: {  	_ =	swait.ge [sflag:s16], $0x2000  }
0x14: {  	[sflag:s16] =	ssyncset.done $0x0  }
0x15: {  	[sflag:s16] =	ssyncadd.s32 $0xFFFFE000  }
0x16: {  	[spmem:s3] =	stream.indirect.scatter.add.f32 [tilespmem:s30], [sflag:$0xA], $0x40, s4, s14, $0xb8;
	[tilespmem:$0x1E000] =	vst v63  }
0x17: {  	_ =	swait.ge [sflag:s1], $0x2000  }
0x18: {  	[sflag:s1] =	ssyncset.done $0x0  }
0x19: {  	[sflag:s1] =	ssyncadd.s32 $0xFFFFE000  }
0x1a: {  	_ =	swait.ge [sflag:s22], $0x2000  }
0x1b: {  	[sflag:s22] =	ssyncset.done $0x0  }
0x1c: {  	[sflag:s22] =	ssyncadd.s32 $0xFFFFE000  }
0x1d: {  	_ =	swait.ge [sflag:s28], $0x2000  }
0x1e: {  	[sflag:s28] =	ssyncset.done $0x0  }
0x1f: {  	[sflag:s28] =	ssyncadd.s32 $0xFFFFE000  }
0x20: {  	_ =	swait.ge [sflag:s29], $0x2000  }
0x21: {  	[sflag:s29] =	ssyncset.done $0x0  }
0x22: {  	[sflag:s29] =	ssyncadd.s32 $0xFFFFE000  }
0x23: {  	_ =	swait.ge [sflag:s0], $0x2000  }
0x24: {  	s2 =	sadd.s32 $0x1, s2;
	[sflag:s0] =	ssyncset.done $0x0  }
0x25: {  	p0 =	sne.s32 s2, s8;
	[sflag:s0] =	ssyncadd.s32 $0xFFFFE000  }
.Ltmp1:
0x26: {  	[bflag:$0x0] =	sbarrier.arrive $0xFFFF;
	(pc) =	sbr.rel @!p0 .LBB2_5-.Ltmp1, $4  }
0x27: {  	[hbm:s24], [sflag:s5] =	dma.local [spmem:s9], $0x1400  }
0x28: {  	_ =	swait.ge [sflag:s10], $0x1400  }
0x29: {  	[sflag:s10] =	ssyncset.done $0x0  }
0x2a: {  	[sflag:s10] =	ssyncadd.s32 $0xFFFFEC00  }
.LBB2_1:
0x2b: {  	s4 =	rddreg [dreg:$0x1]  }
0x2c: {  	[spmem:s9], [sflag:s5] =	dma.local [hbm:s4], $0x1400  }
0x2d: {  	_ =	swait.ge [sflag:s10], $0x1400  }
0x2e: {  	[sflag:s10] =	ssyncset.done $0x0  }
0x2f: {  	s19 =	simm.s32 $0x0;
	s6 =	rddreg [dreg:$0x4];
	[sflag:s10] =	ssyncadd.s32 $0xFFFFEC00  }
0x30: {  	[tilespmem:s11], [sflag:$0xB] =	stream.linear.gather [hbm4b:s6+s19], $0x5000, $0x38;
	[tilespmem:$0x1E000] =	vst v63  }
0x31: {  	_ =	swait.ge [sflag:s10], $0x5000  }
0x32: {  	[sflag:s10] =	ssyncset.done $0x0  }
0x33: {  	[sflag:s10] =	ssyncadd.s32 $0xFFFFB000  }
0x34: {  	[tilespmem:s13], [sflag:$0xB] =	stream.linear.gather [hbm4b:s12+s19], $0x5000, $0x38;
	[tilespmem:$0x1E000] =	vst v63  }
0x35: {  	_ =	swait.ge [sflag:s10], $0x5000  }
0x36: {  	[sflag:s10] =	ssyncset.done $0x0  }
0x37: {  	[sflag:s10] =	ssyncadd.s32 $0xFFFFB000  }
0x38: {  	[bflag:$0x0] =	sbarrier.arrive $0xFFFF  }
0x39: {  	[tilespmem:s15], [sflag:$0x1] =	stream.indirect.gather [hbm4b:s7+s14], $0x40, s11, s14, $0xb8;
	[tilespmem:$0x1E000] =	vst v63  }
0x3a: {  	s23 =	simm.s32 $0xA080  }
0x3b: {  	[tilespmem:s17], [sflag:$0x2] =	stream.indirect.gather [hbm4b:s7+s14], $0x40, s23, s14, $0xb8;
	[tilespmem:$0x1E000] =	vst v63  }
0x3c: {  	_ =	swait.ge [sflag:s18], $0x2000  }
0x3d: {  	[sflag:s18] =	ssyncset.done $0x0  }
0x3e: {  	[sflag:s18] =	ssyncadd.s32 $0xFFFFE000  }
0x3f: {  	[spmem:s3] =	stream.indirect.scatter.add.f32 [tilespmem:s15], [sflag:$0x6], $0x40, s13, s14, $0xb8;
	[tilespmem:$0x1E000] =	vst v63  }
0x40: {  	s6 =	simm.s32 $0xA100  }
0x41: {  	[tilespmem:s20], [sflag:$0x3] =	stream.indirect.gather [hbm4b:s7+s14], $0x40, s6, s14, $0xb8;
	[tilespmem:$0x1E000] =	vst v63  }
0x42: {  	_ =	swait.ge [sflag:s21], $0x2000  }
0x43: {  	[sflag:s21] =	ssyncset.done $0x0  }
0x44: {  	s19 =	simm.s32 $0xF080;
	[sflag:s21] =	ssyncadd.s32 $0xFFFFE000  }
0x45: {  	[spmem:s3] =	stream.indirect.scatter.add.f32 [tilespmem:s17], [sflag:$0x7], $0x40, s19, s14, $0xb8;
	[tilespmem:$0x1E000] =	vst v63  }
0x46: {  	s23 =	simm.s32 $0xA180  }
0x47: {  	[tilespmem:s25], [sflag:$0x4] =	stream.indirect.gather [hbm4b:s7+s14], $0x40, s23, s14, $0xb8;
	[tilespmem:$0x1E000] =	vst v63  }
0x48: {  	_ =	swait.ge [sflag:s26], $0x2000  }
0x49: {  	[sflag:s26] =	ssyncset.done $0x0  }
0x4a: {  	s6 =	simm.s32 $0xF100;
	[sflag:s26] =	ssyncadd.s32 $0xFFFFE000  }
0x4b: {  	[spmem:s3] =	stream.indirect.scatter.add.f32 [tilespmem:s20], [sflag:$0x8], $0x40, s6, s14, $0xb8;
	[tilespmem:$0x1E000] =	vst v63  }
0x4c: {  	s19 =	simm.s32 $0xA200  }
0x4d: {  	[tilespmem:s30], [sflag:$0x5] =	stream.indirect.gather [hbm4b:s7+s14], $0x40, s19, s14, $0xb8;
	[tilespmem:$0x1E000] =	vst v63  }
0x4e: {  	_ =	swait.ge [sflag:s31], $0x2000  }
0x4f: {  	[sflag:s31] =	ssyncset.done $0x0  }
0x50: {  	s23 =	simm.s32 $0xF180;
	[sflag:s31] =	ssyncadd.s32 $0xFFFFE000  }
0x51: {  	[spmem:s3] =	stream.indirect.scatter.add.f32 [tilespmem:s25], [sflag:$0x9], $0x40, s23, s14, $0xb8;
	[tilespmem:$0x1E000] =	vst v63  }
0x52: {  	_ =	swait.ge [sflag:s1], $0x2000  }
0x53: {  	[sflag:s1] =	ssyncset.done $0x0  }
0x54: {  	s6 =	simm.s32 $0xA280;
	[sflag:s1] =	ssyncadd.s32 $0xFFFFE000  }
0x55: {  	[tilespmem:s15], [sflag:$0x1] =	stream.indirect.gather [hbm4b:s7+s14], $0x40, s6, s14, $0xb8;
	[tilespmem:$0x1E000] =	vst v63  }
0x56: {  	_ =	swait.ge [sflag:s16], $0x2000  }
0x57: {  	[sflag:s16] =	ssyncset.done $0x0  }
0x58: {  	s19 =	simm.s32 $0xF200;
	[sflag:s16] =	ssyncadd.s32 $0xFFFFE000  }
0x59: {  	[spmem:s3] =	stream.indirect.scatter.add.f32 [tilespmem:s30], [sflag:$0xA], $0x40, s19, s14, $0xb8;
	[tilespmem:$0x1E000] =	vst v63  }
0x5a: {  	_ =	swait.ge [sflag:s22], $0x2000  }
0x5b: {  	[sflag:s22] =	ssyncset.done $0x0  }
0x5c: {  	s23 =	simm.s32 $0xA300;
	s19 =	simm.s32 $0x0;
	[sflag:s22] =	ssyncadd.s32 $0xFFFFE000  }
0x5d: {  	[tilespmem:s17], [sflag:$0x2] =	stream.indirect.gather [hbm4b:s7+s14], $0x40, s23, s14, $0xb8;
	[tilespmem:$0x1E000] =	vst v63  }
.LBB2_2:
0x5e: {  	_ =	swait.ge [sflag:s18], $0x2000  }
0x5f: {  	s23 =	sshra.s32 s19, $0x2;
	[sflag:s18] =	ssyncset.done $0x0  }
0x60: {  	s4 =	sadd.s32 $0xF280, s23;
	[sflag:s18] =	ssyncadd.s32 $0xFFFFE000  }
0x61: {  	[spmem:s3] =	stream.indirect.scatter.add.f32 [tilespmem:s15], [sflag:$0x6], $0x40, s4, s14, $0xb8;
	[tilespmem:$0x1E000] =	vst v63  }
0x62: {  	_ =	swait.ge [sflag:s28], $0x2000  }
0x63: {  	[sflag:s28] =	ssyncset.done $0x0  }
0x64: {  	s6 =	sadd.s32 $0xA380, s23;
	[sflag:s28] =	ssyncadd.s32 $0xFFFFE000  }
0x65: {  	[tilespmem:s20], [sflag:$0x3] =	stream.indirect.gather [hbm4b:s7+s14], $0x40, s6, s14, $0xb8;
	[tilespmem:$0x1E000] =	vst v63  }
0x66: {  	_ =	swait.ge [sflag:s21], $0x2000  }
0x67: {  	[sflag:s21] =	ssyncset.done $0x0  }
0x68: {  	s6 =	sadd.s32 $0xF300, s23;
	[sflag:s21] =	ssyncadd.s32 $0xFFFFE000  }
0x69: {  	[spmem:s3] =	stream.indirect.scatter.add.f32 [tilespmem:s17], [sflag:$0x7], $0x40, s6, s14, $0xb8;
	[tilespmem:$0x1E000] =	vst v63  }
0x6a: {  	_ =	swait.ge [sflag:s29], $0x2000  }
0x6b: {  	[sflag:s29] =	ssyncset.done $0x0  }
0x6c: {  	s6 =	sadd.s32 $0xA400, s23;
	[sflag:s29] =	ssyncadd.s32 $0xFFFFE000  }
0x6d: {  	[tilespmem:s25], [sflag:$0x4] =	stream.indirect.gather [hbm4b:s7+s14], $0x40, s6, s14, $0xb8;
	[tilespmem:$0x1E000] =	vst v63  }
0x6e: {  	_ =	swait.ge [sflag:s26], $0x2000  }
0x6f: {  	[sflag:s26] =	ssyncset.done $0x0  }
0x70: {  	s6 =	sadd.s32 $0xF380, s23;
	[sflag:s26] =	ssyncadd.s32 $0xFFFFE000  }
0x71: {  	[spmem:s3] =	stream.indirect.scatter.add.f32 [tilespmem:s20], [sflag:$0x8], $0x40, s6, s14, $0xb8;
	[tilespmem:$0x1E000] =	vst v63  }
0x72: {  	_ =	swait.ge [sflag:s0], $0x2000  }
0x73: {  	[sflag:s0] =	ssyncset.done $0x0  }
0x74: {  	p0 =	seq.s32 s19, $0x12C00;
	s6 =	sadd.s32 $0xA480, s23;
	[sflag:s0] =	ssyncadd.s32 $0xFFFFE000  }
0x75: {  	[tilespmem:s30], [sflag:$0x5] =	stream.indirect.gather [hbm4b:s7+s14], $0x40, s6, s14, $0xb8;
	[tilespmem:$0x1E000] =	vst v63  }
.Ltmp2:
0x76: {  	_ = 	snop;
	(pc) =	sbr.rel @p0 .LBB2_4-.Ltmp2, $4  }
0x77: {  	_ =	swait.ge [sflag:s31], $0x2000  }
0x78: {  	[sflag:s31] =	ssyncset.done $0x0  }
0x79: {  	s4 =	sadd.s32 $0xF480, s23;
	s6 =	sadd.s32 $0xF400, s23;
	[sflag:s31] =	ssyncadd.s32 $0xFFFFE000  }
0x7a: {  	[spmem:s3] =	stream.indirect.scatter.add.f32 [tilespmem:s25], [sflag:$0x9], $0x40, s6, s14, $0xb8;
	[tilespmem:$0x1E000] =	vst v63  }
0x7b: {  	_ =	swait.ge [sflag:s1], $0x2000  }
0x7c: {  	[sflag:s1] =	ssyncset.done $0x0  }
0x7d: {  	s6 =	sadd.s32 $0xA500, s23;
	[sflag:s1] =	ssyncadd.s32 $0xFFFFE000  }
0x7e: {  	[tilespmem:s15], [sflag:$0x1] =	stream.indirect.gather [hbm4b:s7+s14], $0x40, s6, s14, $0xb8;
	[tilespmem:$0x1E000] =	vst v63  }
0x7f: {  	_ =	swait.ge [sflag:s16], $0x2000  }
0x80: {  	[sflag:s16] =	ssyncset.done $0x0  }
0x81: {  	[sflag:s16] =	ssyncadd.s32 $0xFFFFE000  }
0x82: {  	[spmem:s3] =	stream.indirect.scatter.add.f32 [tilespmem:s30], [sflag:$0xA], $0x40, s4, s14, $0xb8;
	[tilespmem:$0x1E000] =	vst v63  }
.Ltmp3:
0x83: {  	_ = 	snop;
	(pc) =	sbr.rel .LBB2_2-.Ltmp3, $4  }
0x84: {  	_ =	swait.ge [sflag:s22], $0x2000  }
0x85: {  	[sflag:s22] =	ssyncset.done $0x0  }
0x86: {  	s23 =	sadd.s32 $0xA580, s23;
	s19 =	sadd.s32 $0xA00, s19;
	[sflag:s22] =	ssyncadd.s32 $0xFFFFE000  }
0x87: {  	[tilespmem:s17], [sflag:$0x2] =	stream.indirect.gather [hbm4b:s7+s14], $0x40, s23, s14, $0xb8;
	[tilespmem:$0x1E000] =	vst v63  }
.LBB2_5:
0x88: {  	_ =	sfence.sel $0x180000  }
0x89: {  	[bflag:$0x0] =	sbarrier.arrive $0xFFFF  }
0x8a: {  	_ =	strace $0x9000004A  }
0x8b: {  	s0 =	stileid.u32;
	[bflag:$0x2] =	sbarrier.arrive $0xFFFF  }
0x8c: {  	p0 =	sne.s32 s0, $0x0;
	s0 =	rddreg [dreg:$0x3]  }
0x8d: {  	s0 =	sadd.s32 @!p0 $0x100000, s0  }
0x8e: {  	[sflag:s0] =	ssyncadd.tile.s32 @!p0 $0x1;
	_ =	shalt  }
.Lfunc_end2:
_tile_overlayer_lowered:
.L_overlay_start_2:
0x8f: {  	(tag) =	ssettag $0x2  }
0x90: {  	s0 =	rddreg [dreg:$0x0];
	s2 =	stileid.u32  }
0x91: {  	s1 =	rddreg [dreg:$0x1];
	p0 =	sne.s32 s2, $0x0  }
0x92: {  	s3 =	rddreg [dreg:$0x2];
	[bflag:$0x3] =	sbarrier.arrive $0xFFFF;
	s2 =	simm.s32 @!p0 $0x1C0B  }
0x93: {  	[timem:s3], [sflag:s2] =	dma.local @!p0 [hbm:s0], s1  }
0x94: {  	s0 =	simm.s32 @!p0 $0xB  }
0x95: {  	_ =	swait.ge @!p0 [sflag:s0], s1  }
0x96: {  	s1 =	ssub.s32 @!p0 $0x0, s1;
	[sflag:s0] =	ssyncset.done @!p0 $0x0  }
0x97: {  	[sflag:s0] =	ssyncadd.s32 @!p0 s1  }
0x98: {  	[bflag:$0x3] =	sbarrier.arrive $0xFFFF  }
0x99: {  	_ =	shalt  }

// kernel: kernel.14.cloned.1.call-start
scs
__scs_entry_jumppad:
0x0: {  	(pc) =	sbr.rel $0x88, $3  }
0x1: {  	(tag) =	ssettag $0x0;
	lr =	simm.s32 $0x1  }
0x2: {  	[smem:$0x3F9B] =	sst lr;
	_ =	strace $0xD0000000  }
0x3: {  	_ = 	snop  }
0x4: {  	_ = 	snop  }
0x5: {  	_ = 	snop  }
0x6: {  	_ = 	snop  }
0x7: {  	_ = 	snop  }
__scs_overlays_trampoline_lowered:
0x8: {  	[smem:$0x3FAA] =	sst s0  }
0x9: {  	[smem:$0x3FAB] =	sst s1  }
0xa: {  	[smem:$0x3FAC] =	sst s2  }
0xb: {  	[smem:$0x3FAD] =	sst s3  }
0xc: {  	[smem:$0x3FAE] =	sst s4  }
0xd: {  	[smem:$0x3FAF] =	sst s5  }
0xe: {  	[smem:$0x3FB0] =	sst s6  }
0xf: {  	[smem:$0x3FB1] =	sst s7  }
0x10: {  	[smem:$0x3FB2] =	sst s8  }
0x11: {  	[smem:$0x3FB3] =	sst s9;
	s0 =	simm.s32 @!p0 $0x0  }
0x12: {  	s1 =	sld [smem:$0x3F99];
	s0 =	simm.s32 @p0 $0x1  }
0x13: {  	[smem:$0x3FB4] =	sst s0;
	s0 =	simm.s32 @!p1 $0x0  }
0x14: {  	s2 =	sld [smem:$0x3F98];
	s0 =	simm.s32 @p1 $0x1  }
0x15: {  	[smem:$0x3FB5] =	sst s0;
	s0 =	simm.s32 @!p2 $0x0  }
0x16: {  	s3 =	sld [smem:$0x3FDB];
	s0 =	simm.s32 @p2 $0x1  }
0x17: {  	s4 =	simm.s32 $0x1BF5;
	[smem:$0x3FB7] =	sst s0  }
0x18: {  	s0 =	sld [smem:$0x3F9A];
	_ =	swait.ge [sflag:s4], $0x0  }
0x19: {  	s7 =	sld [smem:$0x3F9B]  }
0x1a: {  	s8 =	sadd.s32 $0xFFFFE003, lr  }
0x1b: {  	s9 =	sadd.s32 $0xFFFFFEF7, lr;
	s5 =	simm.s32 $0xFFFFFFFF;
	p2 =	slt.u32 s8, $0xFFFFF086  }
0x1c: {  	p1 =	slt.u32 s9, $0xF7A;
	s5 =	simm.s32 @!p2 $0x0  }
0x1d: {  	s5 =	simm.s32 @p1 $0x1;
	p0 =	seq.s32 s7, s2  }
0x1e: {  	s7 =	smul.u32 @!p0 $0xF7A, s2;
	p2 =	seq.s32 @!p0 s5, $0x0  }
0x1f: {  	s9 =	smul.u32 $0xF7A, s1;
	s8 =	simm.s32 @!p0 $0x1BF5;
	p2 =	por !p2, p0  }
0x20: {  	[sflag:s8] =	ssyncset.s32 @!p0 $0xFFFFF086;
	s6 =	sadd.s32 @!p0 s3, s7;
	s7 =	simm.s32 @!p0 $0x108  }
0x21: {  	s3 =	sadd.s32 s3, s9;
	s6 =	sadd.s32 @!p0 $0x88, s6;
	s7 =	simm.s32 @p2 $0x1082  }
0x22: {  	[simem:s7], [sflag:s8] =	dma.local @!p0 [hbm:s6], $0xF7A  }
0x23: {  	s9 =	sor.u32 $0xD0000000, s2;
	s6 =	simm.s32 $0x108;
	_ =	swait.ge @!p0 [sflag:s8], $0x0  }
0x24: {  	s3 =	sadd.s32 $0x88, s3;
	s6 =	simm.s32 @!p1 $0x1082;
	[sflag:s4] =	ssyncset.s32 $0xFFFFF086  }
0x25: {  	[simem:s6], [sflag:s4] =	dma.local [hbm:s3], $0xF7A  }
0x26: {  	[smem:$0x3F9B] =	sst s1;
	(tag) =	ssettag s2;
	_ =	strace s9  }
0x27: {  	s1 =	sld [smem:$0x3FAB]  }
0x28: {  	s2 =	sld [smem:$0x3FAC]  }
0x29: {  	s4 =	sld [smem:$0x3FAE]  }
0x2a: {  	p0 =	seq.s32 s5, $0x0;
	s5 =	sld [smem:$0x3FAF]  }
0x2b: {  	s6 =	sld [smem:$0x3FB0]  }
0x2c: {  	s7 =	sld [smem:$0x3FB1]  }
0x2d: {  	s3 =	simm.s32 $0x108;
	s8 =	sld [smem:$0x3FB2]  }
0x2e: {  	s3 =	simm.s32 @!p0 $0x1082;
	s9 =	sld [smem:$0x3FB3]  }
0x2f: {  	lr =	sadd.s32 s0, s3;
	s0 =	sld [smem:$0x3FAA]  }
0x30: {  	s3 =	sld [smem:$0x3FAD]  }
0x31: {  	[smem:$0x3FB6] =	sst s10  }
0x32: {  	s10 =	sld [smem:$0x3FB4];
	_ =	sdelay $0x3  }
0x33: {  	p0 =	seq.s32 s10, $0x1;
	s10 =	sld [smem:$0x3FB6];
	_ =	sdelay $0x3  }
0x34: {  	[smem:$0x3FB6] =	sst s10  }
0x35: {  	s10 =	sld [smem:$0x3FB5];
	_ =	sdelay $0x3  }
0x36: {  	p1 =	seq.s32 s10, $0x1;
	s10 =	sld [smem:$0x3FB6];
	_ =	sdelay $0x3  }
0x37: {  	[smem:$0x3FB6] =	sst s10  }
0x38: {  	s10 =	sld [smem:$0x3FB7]  }
0x39: {  	_ = 	snop;
	(pc) =	sbr.ind lr, $3  }
0x3a: {  	_ = 	snop  }
0x3b: {  	_ = 	snop  }
0x3c: {  	p2 =	seq.s32 s10, $0x1;
	s10 =	sld [smem:$0x3FB6]  }
0x3d: {  	_ =	shalt  }
0x3e: {  	_ =	shalt  }
0x3f: {  	_ =	shalt  }
0x40: {  	_ =	shalt  }
0x41: {  	_ =	shalt  }
0x42: {  	_ =	shalt  }
0x43: {  	_ =	shalt  }
0x44: {  	_ =	shalt  }
0x45: {  	_ =	shalt  }
0x46: {  	_ =	shalt  }
0x47: {  	_ =	shalt  }
0x48: {  	_ =	shalt  }
0x49: {  	_ =	shalt  }
0x4a: {  	_ =	shalt  }
0x4b: {  	_ =	shalt  }
0x4c: {  	_ =	shalt  }
0x4d: {  	_ =	shalt  }
0x4e: {  	_ =	shalt  }
0x4f: {  	_ =	shalt  }
0x50: {  	_ =	shalt  }
0x51: {  	_ =	shalt  }
0x52: {  	_ =	shalt  }
0x53: {  	_ =	shalt  }
0x54: {  	_ =	shalt  }
0x55: {  	_ =	shalt  }
0x56: {  	_ =	shalt  }
0x57: {  	_ =	shalt  }
0x58: {  	_ =	shalt  }
0x59: {  	_ =	shalt  }
0x5a: {  	_ =	shalt  }
0x5b: {  	_ =	shalt  }
0x5c: {  	_ =	shalt  }
0x5d: {  	_ =	shalt  }
0x5e: {  	_ =	shalt  }
0x5f: {  	_ =	shalt  }
0x60: {  	_ =	shalt  }
0x61: {  	_ =	shalt  }
0x62: {  	_ =	shalt  }
0x63: {  	_ =	shalt  }
0x64: {  	_ =	shalt  }
0x65: {  	_ =	shalt  }
0x66: {  	_ =	shalt  }
0x67: {  	_ =	shalt  }
0x68: {  	_ =	shalt  }
0x69: {  	_ =	shalt  }
0x6a: {  	_ =	shalt  }
0x6b: {  	_ =	shalt  }
0x6c: {  	_ =	shalt  }
0x6d: {  	_ =	shalt  }
0x6e: {  	_ =	shalt  }
0x6f: {  	_ =	shalt  }
0x70: {  	_ =	shalt  }
0x71: {  	_ =	shalt  }
0x72: {  	_ =	shalt  }
0x73: {  	_ =	shalt  }
0x74: {  	_ =	shalt  }
0x75: {  	_ =	shalt  }
0x76: {  	_ =	shalt  }
0x77: {  	_ =	shalt  }
0x78: {  	_ =	shalt  }
0x79: {  	_ =	shalt  }
0x7a: {  	_ =	shalt  }
0x7b: {  	_ =	shalt  }
0x7c: {  	_ =	shalt  }
0x7d: {  	_ =	shalt  }
0x7e: {  	_ =	shalt  }
0x7f: {  	_ =	shalt  }
0x80: {  	_ =	shalt  }
0x81: {  	_ =	shalt  }
0x82: {  	_ =	shalt  }
0x83: {  	_ =	shalt  }
0x84: {  	_ =	shalt  }
0x85: {  	_ =	shalt  }
0x86: {  	_ =	shalt  }
0x87: {  	_ =	shalt  }
.Lfunc_end0:
.L_simem_size_0:
called_computation.2_lowered:
.L_overlay_start_0:
0x88: {  	s2 =	sld [smem:$0x3FD9]  }
0x89: {  	s3 =	sld [smem:$0x3FFE];
	_ =	sdelay $0x1  }
0x8a: {  	s1 =	srdreg.scid  }
0x8b: {  	s0 =	sand.u32 $0x1, s1  }
0x8c: {  	s17 =	sshll.u32 s0, $0xA;
	s2 =	sadd.s32 s3, s2  }
0x8d: {  	s2 =	sadd.s32 s2, s17  }
0x8e: {  	[smem:$0x3FC2] =	sst s2  }
0x8f: {  	_ = 	snop  }
0x90: {  	s2 =	sld [smem:$0x3FD0];
	(tm) =	ssettm $0x1  }
0x91: {  	s18 =	sld [smem:$0x3FFB];
	_ =	sdelay $0x3  }
0x92: {  	_ =	strace s18  }
0x93: {  	s3 =	sld [smem:$0x3FFC];
	_ =	sdelay $0x3  }
0x94: {  	_ =	strace s3  }
0x95: {  	s3 =	sld [smem:$0x3FFD];
	_ =	sdelay $0x3  }
0x96: {  	_ =	strace s3  }
0x97: {  	_ =	strace $0x8FFFFFFF  }
0x98: {  	s19 =	sld [smem:$0x3FDB];
	_ =	sdelay $0x1  }
0x99: {  	s4 =	simm.s32 $_scs_section_size  }
0x9a: {  	s5 =	simm.s32 $_size__tile_overlayer_lowered;
	s6 =	simm.s32 $_tile_overlayer_lowered  }
0x9b: {  	s22 =	simm.s32 $0x1BFF;
	s21 =	sshll.u32 s6, $0x1;
	s3 =	sadd.s32 s4, s19  }
0x9c: {  	s7 =	simm.s32 $0x0;
	s20 =	sshll.u32 s5, $0x1;
	s5 =	sadd.s32 s21, s3  }
0x9d: {  	[timem:s7], [sflag:s22] =	dma.local [hbm:s5], s20  }
0x9e: {  	_ =	swait.ge [sflag:s22], s20  }
0x9f: {  	s4 =	ssub.s32 $0x0, s20;
	[sflag:s22] =	ssyncset.done $0x0  }
0xa0: {  	[sflag:s22] =	ssyncadd.s32 s4;
	_ =	sdelay $0x1  }
0xa1: {  	s23 =	simm.s32 $0x1B8B  }
0xa2: {  	_ =	swait.ge [sflag:s23], $0x1  }
0xa3: {  	[sflag:s23] =	ssyncset.done $0x0  }
0xa4: {  	s25 =	simm.s32 $0x1B8E;
	s24 =	sld [smem:$0x3FFE];
	[sflag:s23] =	ssyncadd.s32 $0xFFFFFFFF  }
0xa5: {  	s26 =	simm.s32 $execute0_lowered;
	[smem:$0x3FD2] =	sst s25  }
0xa6: {  	s5 =	sshll.u32 s26, $0x1;
	_ =	strace $0x8000004C;
	[dreg:$0x1] =	wrdreg $0xFFFFFFFF  }
0xa7: {  	s28 =	simm.s32 $_size_execute0_lowered;
	s3 =	sadd.s32 s3, s5;
	[dreg:$0x0] =	wrdreg $0x0  }
0xa8: {  	s5 =	sshll.u32 s28, $0x1;
	[dreg:$0x2] =	wrdreg s3  }
0xa9: {  	[dreg:$0x3] =	wrdreg s5  }
0xaa: {  	[dreg:$0x4] =	wrdreg $0xC0  }
0xab: {  	_ =	task [dreg:s7], $0x5FFFF  }
0xac: {  	[dreg:$0x1] =	wrdreg $0xFFFFFFFF  }
0xad: {  	[dreg:$0x0] =	wrdreg $0x60  }
0xae: {  	[dreg:$0x2] =	wrdreg s24  }
0xaf: {  	[dreg:$0x3] =	wrdreg s2  }
0xb0: {  	[dreg:$0x4] =	wrdreg $0x0  }
0xb1: {  	[dreg:$0x5] =	wrdreg $0x9  }
0xb2: {  	_ =	task.clear_ibuf [dreg:s7], $0x6FFFF;
	_ =	strace $0x9000004C  }
0xb3: {  	s29 =	simm.s32 $0x9;
	_ =	strace $0x8000004E  }
0xb4: {  	_ =	swait.ge [sflag:s29], $0x1  }
0xb5: {  	[sflag:s29] =	ssyncadd.s32 $0xFFFFFFFF  }
0xb6: {  	_ =	strace $0x9000004E  }
0xb7: {  	_ =	sfence  }
0xb8: {  	s30 =	sld [smem:$0x0];
	_ =	sdelay $0x2  }
0xb9: {  	s31 =	sshll.u32 s1, $0xD;
	s1 =	sshrl.u32 s1, $0x2  }
0xba: {  	s3 =	sand.u32 $0x4000, s31;
	s1 =	sadd.s32 s1, s30  }
0xbb: {  	s0 =	sor.u32 s3, s0;
	s1 =	sshll.u32 s1, $0x11  }
0xbc: {  	s0 =	sor.u32 s1, s0  }
0xbd: {  	s0 =	sadd.s32 $0x8F2B, s0  }
0xbe: {  	[sflag:s0] =	ssyncadd.remote.s32 $0x1  }
0xbf: {  	_ =	sfence.sel $0xFFFF  }
0xc0: {  	[dreg:$0x0] =	wrdreg $0xFFFFFFFF;
	(pc) =	sbr.abs _section_cstart, $3  }
0xc1: {  	[dreg:$0x1] =	wrdreg $0xFFFFFFFF  }
0xc2: {  	_ =	task.clear_ibuf [dreg:s7], $0x2FFFF;
	_ =	strace $0x9FFFFFFF  }
0xc3: {  	(tm) =	ssettm $0x7FFFFFFF  }
tec
execute0_lowered:
.L_overlay_start_1:
0x0: {  	(tag) =	ssettag $0x1  }
0x1: {  	s0 =	rddreg [dreg:$0x0]  }
0x2: {  	s3 =	rddreg [dreg:$0x2]  }
0x3: {  	s2 =	simm.s32 $0x0;
	s11 =	stileid.u32;
	s1 =	srdreg.scid  }
0x4: {  	s13 =	simm.s32 $0x8C00;
	s14 =	simm.s32 $0x80;
	s15 =	simm.s32 $0xB400  }
0x5: {  	s17 =	simm.s32 $0xC800;
	s18 =	simm.s32 $0x1;
	s20 =	simm.s32 $0xDC00  }
0x6: {  	s21 =	simm.s32 $0x2;
	s30 =	simm.s32 $0x10400;
	s31 =	simm.s32 $0x4  }
0x7: {  	s22 =	simm.s32 $0x7;
	s28 =	simm.s32 $0x8;
	s29 =	simm.s32 $0x9  }
0x8: {  	[smem:$0x7FF] =	sst s2;
	s23 =	smul.u32 $0xA00, s11;
	s1 =	sand.u32 $0x1, s1  }
0x9: {  	s5 =	sadd.s32 $0x15E00, s0;
	s7 =	smul.u32 $0x6400, s11;
	s24 =	sshll.u32 s11, $0x6  }
0xa: {  	s11 =	simm.s32 $0x6400;
	s2 =	simm.s32 $0x0;
	s4 =	smul.u32 $0xC800, s1  }
0xb: {  	_ =	strace $0x8000004D;
	s6 =	ssub.s32 $0x2, s1;
	s1 =	smul.u32 $0x500, s1  }
0xc: {  	s8 =	sadd.s32 s23, s0;
	s9 =	sshrl.u32 s6, $0x1;
	s10 =	sadd.s32 s7, s3  }
0xd: {  	s16 =	sshrl.u32 s7, $0x3;
	s4 =	sadd.s32 s4, s0;
	s9 =	ssub.s32 s6, s9  }
0xe: {  	s6 =	sor.u32 $0x1C0B, s24;
	s25 =	sadd.s32 $0x1E00, s8;
	s0 =	sadd.s32 $0xBE00, s0  }
.Ltmp0:
0xf: {  	s8 =	sshrl.u32 s10, $0x3;
	s4 =	sadd.s32 $0x22600, s4;
	(pc) =	sbr.rel .LBB2_1-.Ltmp0, $4  }
0x10: {  	s26 =	smax.u32 s9, $0x1;
	s9 =	simm.s32 $0xB;
	s10 =	sadd.s32 s1, s25  }
0x11: {  	s0 =	sadd.s32 s23, s0;
	s25 =	simm.s32 $0xF000;
	[dreg:$0x4] =	wrdreg s26  }
0x12: {  	s12 =	sadd.s32 s1, s0;
	s24 =	sadd.s32 s16, s4;
	s26 =	simm.s32 $0x3  }
0x13: {  	s1 =	simm.s32 $0x6;
	s16 =	simm.s32 $0x5;
	s0 =	simm.s32 $0xA  }
.LBB2_4:
0x14: {  	_ =	swait.ge [sflag:s16], $0x1400  }
0x15: {  	[sflag:s16] =	ssyncset.done $0x0  }
0x16: {  	[sflag:s16] =	ssyncadd.s32 $0xFFFFEC00  }
0x17: {  	[spmem:s3] =	stream.indirect.scatter.add.f32 [tilespmem:s30], [sflag:$0xA], $0x28, s4, s14, $0xb8;
	[tilespmem:$0x11800] =	vst v63  }
0x18: {  	_ =	swait.ge [sflag:s1], $0x1400  }
0x19: {  	[sflag:s1] =	ssyncset.done $0x0  }
0x1a: {  	[sflag:s1] =	ssyncadd.s32 $0xFFFFEC00  }
0x1b: {  	_ =	swait.ge [sflag:s22], $0x1400  }
0x1c: {  	[sflag:s22] =	ssyncset.done $0x0  }
0x1d: {  	[sflag:s22] =	ssyncadd.s32 $0xFFFFEC00  }
0x1e: {  	_ =	swait.ge [sflag:s28], $0x1400  }
0x1f: {  	[sflag:s28] =	ssyncset.done $0x0  }
0x20: {  	[sflag:s28] =	ssyncadd.s32 $0xFFFFEC00  }
0x21: {  	_ =	swait.ge [sflag:s29], $0x1400  }
0x22: {  	[sflag:s29] =	ssyncset.done $0x0  }
0x23: {  	[sflag:s29] =	ssyncadd.s32 $0xFFFFEC00  }
0x24: {  	_ =	swait.ge [sflag:s0], $0x1400  }
0x25: {  	[sflag:s0] =	ssyncset.done $0x0  }
0x26: {  	[sflag:s0] =	ssyncadd.s32 $0xFFFFEC00  }
0x27: {  	[bflag:$0x0] =	sbarrier.arrive $0xFFFF  }
0x28: {  	[hbm:s24], [sflag:s6] =	dma.local [spmem:s8], $0xC80  }
0x29: {  	_ =	swait.ge [sflag:s9], $0xC80  }
0x2a: {  	s2 =	sadd.s32 $0x1, s2;
	s23 =	rddreg [dreg:$0x4]  }
0x2b: {  	p0 =	sne.s32 s2, s23  }
.Ltmp1:
0x2c: {  	_ = 	snop;
	(pc) =	sbr.rel @!p0 .LBB2_5-.Ltmp1, $3  }
0x2d: {  	_ =	sdelay $0x1  }
0x2e: {  	[sflag:s9] =	ssyncset.done $0x0  }
0x2f: {  	[sflag:s9] =	ssyncadd.s32 $0xFFFFF380  }
.LBB2_1:
0x30: {  	s4 =	rddreg [dreg:$0x1]  }
0x31: {  	[spmem:s8], [sflag:s6] =	dma.local [hbm:s4], $0xC80  }
0x32: {  	_ =	swait.ge [sflag:s9], $0xC80  }
0x33: {  	[sflag:s9] =	ssyncset.done $0x0  }
0x34: {  	s19 =	simm.s32 $0x0;
	[sflag:s9] =	ssyncadd.s32 $0xFFFFF380  }
0x35: {  	[tilespmem:s11], [sflag:$0xB] =	stream.linear.gather [hbm4b:s10+s19], $0x2800, $0x38;
	[tilespmem:$0x11800] =	vst v63  }
0x36: {  	_ =	swait.ge [sflag:s9], $0x2800  }
0x37: {  	[sflag:s9] =	ssyncset.done $0x0  }
0x38: {  	[sflag:s9] =	ssyncadd.s32 $0xFFFFD800  }
0x39: {  	[tilespmem:s13], [sflag:$0xB] =	stream.linear.gather [hbm4b:s12+s19], $0x2800, $0x38;
	[tilespmem:$0x11800] =	vst v63  }
0x3a: {  	_ =	swait.ge [sflag:s9], $0x2800  }
0x3b: {  	[sflag:s9] =	ssyncset.done $0x0  }
0x3c: {  	[sflag:s9] =	ssyncadd.s32 $0xFFFFD800  }
0x3d: {  	[bflag:$0x0] =	sbarrier.arrive $0xFFFF  }
0x3e: {  	[tilespmem:s15], [sflag:$0x1] =	stream.indirect.gather [hbm4b:s5+s14], $0x28, s11, s14, $0xb8;
	[tilespmem:$0x11800] =	vst v63  }
0x3f: {  	s23 =	simm.s32 $0x6480  }
0x40: {  	[tilespmem:s17], [sflag:$0x2] =	stream.indirect.gather [hbm4b:s5+s14], $0x28, s23, s14, $0xb8;
	[tilespmem:$0x11800] =	vst v63  }
0x41: {  	_ =	swait.ge [sflag:s18], $0x1400  }
0x42: {  	[sflag:s18] =	ssyncset.done $0x0  }
0x43: {  	[sflag:s18] =	ssyncadd.s32 $0xFFFFEC00  }
0x44: {  	[spmem:s3] =	stream.indirect.scatter.add.f32 [tilespmem:s15], [sflag:$0x6], $0x28, s13, s14, $0xb8;
	[tilespmem:$0x11800] =	vst v63  }
0x45: {  	s7 =	simm.s32 $0x6500  }
0x46: {  	[tilespmem:s20], [sflag:$0x3] =	stream.indirect.gather [hbm4b:s5+s14], $0x28, s7, s14, $0xb8;
	[tilespmem:$0x11800] =	vst v63  }
0x47: {  	_ =	swait.ge [sflag:s21], $0x1400  }
0x48: {  	[sflag:s21] =	ssyncset.done $0x0  }
0x49: {  	s19 =	simm.s32 $0x8C80;
	[sflag:s21] =	ssyncadd.s32 $0xFFFFEC00  }
0x4a: {  	[spmem:s3] =	stream.indirect.scatter.add.f32 [tilespmem:s17], [sflag:$0x7], $0x28, s19, s14, $0xb8;
	[tilespmem:$0x11800] =	vst v63  }
0x4b: {  	s23 =	simm.s32 $0x6580  }
0x4c: {  	[tilespmem:s25], [sflag:$0x4] =	stream.indirect.gather [hbm4b:s5+s14], $0x28, s23, s14, $0xb8;
	[tilespmem:$0x11800] =	vst v63  }
0x4d: {  	_ =	swait.ge [sflag:s26], $0x1400  }
0x4e: {  	[sflag:s26] =	ssyncset.done $0x0  }
0x4f: {  	s7 =	simm.s32 $0x8D00;
	[sflag:s26] =	ssyncadd.s32 $0xFFFFEC00  }
0x50: {  	[spmem:s3] =	stream.indirect.scatter.add.f32 [tilespmem:s20], [sflag:$0x8], $0x28, s7, s14, $0xb8;
	[tilespmem:$0x11800] =	vst v63  }
0x51: {  	s19 =	simm.s32 $0x6600  }
0x52: {  	[tilespmem:s30], [sflag:$0x5] =	stream.indirect.gather [hbm4b:s5+s14], $0x28, s19, s14, $0xb8;
	[tilespmem:$0x11800] =	vst v63  }
0x53: {  	_ =	swait.ge [sflag:s31], $0x1400  }
0x54: {  	[sflag:s31] =	ssyncset.done $0x0  }
0x55: {  	s23 =	simm.s32 $0x8D80;
	[sflag:s31] =	ssyncadd.s32 $0xFFFFEC00  }
0x56: {  	[spmem:s3] =	stream.indirect.scatter.add.f32 [tilespmem:s25], [sflag:$0x9], $0x28, s23, s14, $0xb8;
	[tilespmem:$0x11800] =	vst v63  }
0x57: {  	_ =	swait.ge [sflag:s1], $0x1400  }
0x58: {  	[sflag:s1] =	ssyncset.done $0x0  }
0x59: {  	s7 =	simm.s32 $0x6680;
	[sflag:s1] =	ssyncadd.s32 $0xFFFFEC00  }
0x5a: {  	[tilespmem:s15], [sflag:$0x1] =	stream.indirect.gather [hbm4b:s5+s14], $0x28, s7, s14, $0xb8;
	[tilespmem:$0x11800] =	vst v63  }
0x5b: {  	_ =	swait.ge [sflag:s16], $0x1400  }
0x5c: {  	[sflag:s16] =	ssyncset.done $0x0  }
0x5d: {  	s19 =	simm.s32 $0x8E00;
	[sflag:s16] =	ssyncadd.s32 $0xFFFFEC00  }
0x5e: {  	[spmem:s3] =	stream.indirect.scatter.add.f32 [tilespmem:s30], [sflag:$0xA], $0x28, s19, s14, $0xb8;
	[tilespmem:$0x11800] =	vst v63  }
0x5f: {  	_ =	swait.ge [sflag:s22], $0x1400  }
0x60: {  	[sflag:s22] =	ssyncset.done $0x0  }
0x61: {  	s23 =	simm.s32 $0x6700;
	s19 =	simm.s32 $0x0;
	[sflag:s22] =	ssyncadd.s32 $0xFFFFEC00  }
0x62: {  	[tilespmem:s17], [sflag:$0x2] =	stream.indirect.gather [hbm4b:s5+s14], $0x28, s23, s14, $0xb8;
	[tilespmem:$0x11800] =	vst v63  }
.LBB2_2:
0x63: {  	_ =	swait.ge [sflag:s18], $0x1400  }
0x64: {  	s23 =	sshra.s32 s19, $0x2;
	[sflag:s18] =	ssyncset.done $0x0  }
0x65: {  	s4 =	sadd.s32 $0x8E80, s23;
	[sflag:s18] =	ssyncadd.s32 $0xFFFFEC00  }
0x66: {  	[spmem:s3] =	stream.indirect.scatter.add.f32 [tilespmem:s15], [sflag:$0x6], $0x28, s4, s14, $0xb8;
	[tilespmem:$0x11800] =	vst v63  }
0x67: {  	_ =	swait.ge [sflag:s28], $0x1400  }
0x68: {  	[sflag:s28] =	ssyncset.done $0x0  }
0x69: {  	s7 =	sadd.s32 $0x6780, s23;
	[sflag:s28] =	ssyncadd.s32 $0xFFFFEC00  }
0x6a: {  	[tilespmem:s20], [sflag:$0x3] =	stream.indirect.gather [hbm4b:s5+s14], $0x28, s7, s14, $0xb8;
	[tilespmem:$0x11800] =	vst v63  }
0x6b: {  	_ =	swait.ge [sflag:s21], $0x1400  }
0x6c: {  	[sflag:s21] =	ssyncset.done $0x0  }
0x6d: {  	s7 =	sadd.s32 $0x8F00, s23;
	[sflag:s21] =	ssyncadd.s32 $0xFFFFEC00  }
0x6e: {  	[spmem:s3] =	stream.indirect.scatter.add.f32 [tilespmem:s17], [sflag:$0x7], $0x28, s7, s14, $0xb8;
	[tilespmem:$0x11800] =	vst v63  }
0x6f: {  	_ =	swait.ge [sflag:s29], $0x1400  }
0x70: {  	[sflag:s29] =	ssyncset.done $0x0  }
0x71: {  	s7 =	sadd.s32 $0x6800, s23;
	[sflag:s29] =	ssyncadd.s32 $0xFFFFEC00  }
0x72: {  	[tilespmem:s25], [sflag:$0x4] =	stream.indirect.gather [hbm4b:s5+s14], $0x28, s7, s14, $0xb8;
	[tilespmem:$0x11800] =	vst v63  }
0x73: {  	_ =	swait.ge [sflag:s26], $0x1400  }
0x74: {  	[sflag:s26] =	ssyncset.done $0x0  }
0x75: {  	s7 =	sadd.s32 $0x8F80, s23;
	[sflag:s26] =	ssyncadd.s32 $0xFFFFEC00  }
0x76: {  	[spmem:s3] =	stream.indirect.scatter.add.f32 [tilespmem:s20], [sflag:$0x8], $0x28, s7, s14, $0xb8;
	[tilespmem:$0x11800] =	vst v63  }
0x77: {  	_ =	swait.ge [sflag:s0], $0x1400  }
0x78: {  	[sflag:s0] =	ssyncset.done $0x0  }
0x79: {  	p0 =	seq.s32 s19, $0x8C00;
	s7 =	sadd.s32 $0x6880, s23;
	[sflag:s0] =	ssyncadd.s32 $0xFFFFEC00  }
0x7a: {  	[tilespmem:s30], [sflag:$0x5] =	stream.indirect.gather [hbm4b:s5+s14], $0x28, s7, s14, $0xb8;
	[tilespmem:$0x11800] =	vst v63  }
.Ltmp2:
0x7b: {  	_ = 	snop;
	(pc) =	sbr.rel @p0 .LBB2_4-.Ltmp2, $4  }
0x7c: {  	_ =	swait.ge [sflag:s31], $0x1400  }
0x7d: {  	[sflag:s31] =	ssyncset.done $0x0  }
0x7e: {  	s4 =	sadd.s32 $0x9080, s23;
	s7 =	sadd.s32 $0x9000, s23;
	[sflag:s31] =	ssyncadd.s32 $0xFFFFEC00  }
0x7f: {  	[spmem:s3] =	stream.indirect.scatter.add.f32 [tilespmem:s25], [sflag:$0x9], $0x28, s7, s14, $0xb8;
	[tilespmem:$0x11800] =	vst v63  }
0x80: {  	_ =	swait.ge [sflag:s1], $0x1400  }
0x81: {  	[sflag:s1] =	ssyncset.done $0x0  }
0x82: {  	s7 =	sadd.s32 $0x6900, s23;
	[sflag:s1] =	ssyncadd.s32 $0xFFFFEC00  }
0x83: {  	[tilespmem:s15], [sflag:$0x1] =	stream.indirect.gather [hbm4b:s5+s14], $0x28, s7, s14, $0xb8;
	[tilespmem:$0x11800] =	vst v63  }
0x84: {  	_ =	swait.ge [sflag:s16], $0x1400  }
0x85: {  	[sflag:s16] =	ssyncset.done $0x0  }
0x86: {  	[sflag:s16] =	ssyncadd.s32 $0xFFFFEC00  }
0x87: {  	[spmem:s3] =	stream.indirect.scatter.add.f32 [tilespmem:s30], [sflag:$0xA], $0x28, s4, s14, $0xb8;
	[tilespmem:$0x11800] =	vst v63  }
.Ltmp3:
0x88: {  	_ = 	snop;
	(pc) =	sbr.rel .LBB2_2-.Ltmp3, $4  }
0x89: {  	_ =	swait.ge [sflag:s22], $0x1400  }
0x8a: {  	[sflag:s22] =	ssyncset.done $0x0  }
0x8b: {  	s23 =	sadd.s32 $0x6980, s23;
	s19 =	sadd.s32 $0xA00, s19;
	[sflag:s22] =	ssyncadd.s32 $0xFFFFEC00  }
0x8c: {  	[tilespmem:s17], [sflag:$0x2] =	stream.indirect.gather [hbm4b:s5+s14], $0x28, s23, s14, $0xb8;
	[tilespmem:$0x11800] =	vst v63  }
.LBB2_5:
0x8d: {  	_ =	sfence.sel $0x180000  }
0x8e: {  	[bflag:$0x0] =	sbarrier.arrive $0xFFFF  }
0x8f: {  	_ =	strace $0x9000004D  }
0x90: {  	s0 =	stileid.u32;
	[bflag:$0x2] =	sbarrier.arrive $0xFFFF  }
0x91: {  	p0 =	sne.s32 s0, $0x0;
	s0 =	rddreg [dreg:$0x3]  }
0x92: {  	s0 =	sadd.s32 @!p0 $0x100000, s0  }
0x93: {  	[sflag:s0] =	ssyncadd.tile.s32 @!p0 $0x1;
	_ =	shalt  }
.Lfunc_end2:
_tile_overlayer_lowered:
.L_overlay_start_2:
0x94: {  	(tag) =	ssettag $0x2  }
0x95: {  	s0 =	rddreg [dreg:$0x0];
	s2 =	stileid.u32  }
0x96: {  	s1 =	rddreg [dreg:$0x1];
	p0 =	sne.s32 s2, $0x0  }
0x97: {  	s3 =	rddreg [dreg:$0x2];
	[bflag:$0x3] =	sbarrier.arrive $0xFFFF;
	s2 =	simm.s32 @!p0 $0x1C0B  }
0x98: {  	[timem:s3], [sflag:s2] =	dma.local @!p0 [hbm:s0], s1  }
0x99: {  	s0 =	simm.s32 @!p0 $0xB  }
0x9a: {  	_ =	swait.ge @!p0 [sflag:s0], s1  }
0x9b: {  	s1 =	ssub.s32 @!p0 $0x0, s1;
	[sflag:s0] =	ssyncset.done @!p0 $0x0  }
0x9c: {  	[sflag:s0] =	ssyncadd.s32 @!p0 s1  }
0x9d: {  	[bflag:$0x3] =	sbarrier.arrive $0xFFFF  }
0x9e: {  	_ =	shalt  }

// kernel: kernel.8.cloned.1.call-start
scs
__scs_entry_jumppad:
0x0: {  	(pc) =	sbr.rel $0x88, $3  }
0x1: {  	(tag) =	ssettag $0x0;
	lr =	simm.s32 $0x1  }
0x2: {  	[smem:$0x3F9B] =	sst lr;
	_ =	strace $0xD0000000  }
0x3: {  	_ = 	snop  }
0x4: {  	_ = 	snop  }
0x5: {  	_ = 	snop  }
0x6: {  	_ = 	snop  }
0x7: {  	_ = 	snop  }
__scs_overlays_trampoline_lowered:
0x8: {  	[smem:$0x3FAA] =	sst s0  }
0x9: {  	[smem:$0x3FAB] =	sst s1  }
0xa: {  	[smem:$0x3FAC] =	sst s2  }
0xb: {  	[smem:$0x3FAD] =	sst s3  }
0xc: {  	[smem:$0x3FAE] =	sst s4  }
0xd: {  	[smem:$0x3FAF] =	sst s5  }
0xe: {  	[smem:$0x3FB0] =	sst s6  }
0xf: {  	[smem:$0x3FB1] =	sst s7  }
0x10: {  	[smem:$0x3FB2] =	sst s8  }
0x11: {  	[smem:$0x3FB3] =	sst s9;
	s0 =	simm.s32 @!p0 $0x0  }
0x12: {  	s1 =	sld [smem:$0x3F99];
	s0 =	simm.s32 @p0 $0x1  }
0x13: {  	[smem:$0x3FB4] =	sst s0;
	s0 =	simm.s32 @!p1 $0x0  }
0x14: {  	s2 =	sld [smem:$0x3F98];
	s0 =	simm.s32 @p1 $0x1  }
0x15: {  	[smem:$0x3FB5] =	sst s0;
	s0 =	simm.s32 @!p2 $0x0  }
0x16: {  	s3 =	sld [smem:$0x3FDB];
	s0 =	simm.s32 @p2 $0x1  }
0x17: {  	s4 =	simm.s32 $0x1BF5;
	[smem:$0x3FB7] =	sst s0  }
0x18: {  	s0 =	sld [smem:$0x3F9A];
	_ =	swait.ge [sflag:s4], $0x0  }
0x19: {  	s7 =	sld [smem:$0x3F9B]  }
0x1a: {  	s8 =	sadd.s32 $0xFFFFE003, lr  }
0x1b: {  	s9 =	sadd.s32 $0xFFFFFEF7, lr;
	s5 =	simm.s32 $0xFFFFFFFF;
	p2 =	slt.u32 s8, $0xFFFFF086  }
0x1c: {  	p1 =	slt.u32 s9, $0xF7A;
	s5 =	simm.s32 @!p2 $0x0  }
0x1d: {  	s5 =	simm.s32 @p1 $0x1;
	p0 =	seq.s32 s7, s2  }
0x1e: {  	s7 =	smul.u32 @!p0 $0xF7A, s2;
	p2 =	seq.s32 @!p0 s5, $0x0  }
0x1f: {  	s9 =	smul.u32 $0xF7A, s1;
	s8 =	simm.s32 @!p0 $0x1BF5;
	p2 =	por !p2, p0  }
0x20: {  	[sflag:s8] =	ssyncset.s32 @!p0 $0xFFFFF086;
	s6 =	sadd.s32 @!p0 s3, s7;
	s7 =	simm.s32 @!p0 $0x108  }
0x21: {  	s3 =	sadd.s32 s3, s9;
	s6 =	sadd.s32 @!p0 $0x88, s6;
	s7 =	simm.s32 @p2 $0x1082  }
0x22: {  	[simem:s7], [sflag:s8] =	dma.local @!p0 [hbm:s6], $0xF7A  }
0x23: {  	s9 =	sor.u32 $0xD0000000, s2;
	s6 =	simm.s32 $0x108;
	_ =	swait.ge @!p0 [sflag:s8], $0x0  }
0x24: {  	s3 =	sadd.s32 $0x88, s3;
	s6 =	simm.s32 @!p1 $0x1082;
	[sflag:s4] =	ssyncset.s32 $0xFFFFF086  }
0x25: {  	[simem:s6], [sflag:s4] =	dma.local [hbm:s3], $0xF7A  }
0x26: {  	[smem:$0x3F9B] =	sst s1;
	(tag) =	ssettag s2;
	_ =	strace s9  }
0x27: {  	s1 =	sld [smem:$0x3FAB]  }
0x28: {  	s2 =	sld [smem:$0x3FAC]  }
0x29: {  	s4 =	sld [smem:$0x3FAE]  }
0x2a: {  	p0 =	seq.s32 s5, $0x0;
	s5 =	sld [smem:$0x3FAF]  }
0x2b: {  	s6 =	sld [smem:$0x3FB0]  }
0x2c: {  	s7 =	sld [smem:$0x3FB1]  }
0x2d: {  	s3 =	simm.s32 $0x108;
	s8 =	sld [smem:$0x3FB2]  }
0x2e: {  	s3 =	simm.s32 @!p0 $0x1082;
	s9 =	sld [smem:$0x3FB3]  }
0x2f: {  	lr =	sadd.s32 s0, s3;
	s0 =	sld [smem:$0x3FAA]  }
0x30: {  	s3 =	sld [smem:$0x3FAD]  }
0x31: {  	[smem:$0x3FB6] =	sst s10  }
0x32: {  	s10 =	sld [smem:$0x3FB4];
	_ =	sdelay $0x3  }
0x33: {  	p0 =	seq.s32 s10, $0x1;
	s10 =	sld [smem:$0x3FB6];
	_ =	sdelay $0x3  }
0x34: {  	[smem:$0x3FB6] =	sst s10  }
0x35: {  	s10 =	sld [smem:$0x3FB5];
	_ =	sdelay $0x3  }
0x36: {  	p1 =	seq.s32 s10, $0x1;
	s10 =	sld [smem:$0x3FB6];
	_ =	sdelay $0x3  }
0x37: {  	[smem:$0x3FB6] =	sst s10  }
0x38: {  	s10 =	sld [smem:$0x3FB7]  }
0x39: {  	_ = 	snop;
	(pc) =	sbr.ind lr, $3  }
0x3a: {  	_ = 	snop  }
0x3b: {  	_ = 	snop  }
0x3c: {  	p2 =	seq.s32 s10, $0x1;
	s10 =	sld [smem:$0x3FB6]  }
0x3d: {  	_ =	shalt  }
0x3e: {  	_ =	shalt  }
0x3f: {  	_ =	shalt  }
0x40: {  	_ =	shalt  }
0x41: {  	_ =	shalt  }
0x42: {  	_ =	shalt  }
0x43: {  	_ =	shalt  }
0x44: {  	_ =	shalt  }
0x45: {  	_ =	shalt  }
0x46: {  	_ =	shalt  }
0x47: {  	_ =	shalt  }
0x48: {  	_ =	shalt  }
0x49: {  	_ =	shalt  }
0x4a: {  	_ =	shalt  }
0x4b: {  	_ =	shalt  }
0x4c: {  	_ =	shalt  }
0x4d: {  	_ =	shalt  }
0x4e: {  	_ =	shalt  }
0x4f: {  	_ =	shalt  }
0x50: {  	_ =	shalt  }
0x51: {  	_ =	shalt  }
0x52: {  	_ =	shalt  }
0x53: {  	_ =	shalt  }
0x54: {  	_ =	shalt  }
0x55: {  	_ =	shalt  }
0x56: {  	_ =	shalt  }
0x57: {  	_ =	shalt  }
0x58: {  	_ =	shalt  }
0x59: {  	_ =	shalt  }
0x5a: {  	_ =	shalt  }
0x5b: {  	_ =	shalt  }
0x5c: {  	_ =	shalt  }
0x5d: {  	_ =	shalt  }
0x5e: {  	_ =	shalt  }
0x5f: {  	_ =	shalt  }
0x60: {  	_ =	shalt  }
0x61: {  	_ =	shalt  }
0x62: {  	_ =	shalt  }
0x63: {  	_ =	shalt  }
0x64: {  	_ =	shalt  }
0x65: {  	_ =	shalt  }
0x66: {  	_ =	shalt  }
0x67: {  	_ =	shalt  }
0x68: {  	_ =	shalt  }
0x69: {  	_ =	shalt  }
0x6a: {  	_ =	shalt  }
0x6b: {  	_ =	shalt  }
0x6c: {  	_ =	shalt  }
0x6d: {  	_ =	shalt  }
0x6e: {  	_ =	shalt  }
0x6f: {  	_ =	shalt  }
0x70: {  	_ =	shalt  }
0x71: {  	_ =	shalt  }
0x72: {  	_ =	shalt  }
0x73: {  	_ =	shalt  }
0x74: {  	_ =	shalt  }
0x75: {  	_ =	shalt  }
0x76: {  	_ =	shalt  }
0x77: {  	_ =	shalt  }
0x78: {  	_ =	shalt  }
0x79: {  	_ =	shalt  }
0x7a: {  	_ =	shalt  }
0x7b: {  	_ =	shalt  }
0x7c: {  	_ =	shalt  }
0x7d: {  	_ =	shalt  }
0x7e: {  	_ =	shalt  }
0x7f: {  	_ =	shalt  }
0x80: {  	_ =	shalt  }
0x81: {  	_ =	shalt  }
0x82: {  	_ =	shalt  }
0x83: {  	_ =	shalt  }
0x84: {  	_ =	shalt  }
0x85: {  	_ =	shalt  }
0x86: {  	_ =	shalt  }
0x87: {  	_ =	shalt  }
.Lfunc_end0:
.L_simem_size_0:
called_computation_lowered:
.L_overlay_start_0:
0x88: {  	s2 =	sld [smem:$0x3FD9]  }
0x89: {  	s3 =	sld [smem:$0x3FFE];
	_ =	sdelay $0x1  }
0x8a: {  	s1 =	srdreg.scid  }
0x8b: {  	s0 =	sand.u32 $0x1, s1  }
0x8c: {  	s17 =	sshll.u32 s0, $0xA;
	s2 =	sadd.s32 s3, s2  }
0x8d: {  	s2 =	sadd.s32 s2, s17  }
0x8e: {  	[smem:$0x3FC2] =	sst s2  }
0x8f: {  	_ = 	snop  }
0x90: {  	s2 =	sld [smem:$0x3FD0];
	(tm) =	ssettm $0x1  }
0x91: {  	s18 =	sld [smem:$0x3FFB];
	_ =	sdelay $0x3  }
0x92: {  	_ =	strace s18  }
0x93: {  	s3 =	sld [smem:$0x3FFC];
	_ =	sdelay $0x3  }
0x94: {  	_ =	strace s3  }
0x95: {  	s3 =	sld [smem:$0x3FFD];
	_ =	sdelay $0x3  }
0x96: {  	_ =	strace s3  }
0x97: {  	_ =	strace $0x8FFFFFFF  }
0x98: {  	s19 =	sld [smem:$0x3FDB];
	_ =	sdelay $0x1  }
0x99: {  	s4 =	simm.s32 $_scs_section_size  }
0x9a: {  	s5 =	simm.s32 $_size__tile_overlayer_lowered;
	s6 =	simm.s32 $_tile_overlayer_lowered  }
0x9b: {  	s22 =	simm.s32 $0x1BFF;
	s21 =	sshll.u32 s6, $0x1;
	s3 =	sadd.s32 s4, s19  }
0x9c: {  	s7 =	simm.s32 $0x0;
	s20 =	sshll.u32 s5, $0x1;
	s5 =	sadd.s32 s21, s3  }
0x9d: {  	[timem:s7], [sflag:s22] =	dma.local [hbm:s5], s20  }
0x9e: {  	_ =	swait.ge [sflag:s22], s20  }
0x9f: {  	s4 =	ssub.s32 $0x0, s20;
	[sflag:s22] =	ssyncset.done $0x0  }
0xa0: {  	[sflag:s22] =	ssyncadd.s32 s4;
	_ =	sdelay $0x1  }
0xa1: {  	s23 =	simm.s32 $0x1B8B  }
0xa2: {  	_ =	swait.ge [sflag:s23], $0x1  }
0xa3: {  	[sflag:s23] =	ssyncset.done $0x0  }
0xa4: {  	s25 =	simm.s32 $0x1B8E;
	s24 =	sld [smem:$0x3FFE];
	[sflag:s23] =	ssyncadd.s32 $0xFFFFFFFF  }
0xa5: {  	s26 =	simm.s32 $execute0_lowered;
	[smem:$0x3FD2] =	sst s25  }
0xa6: {  	s5 =	sshll.u32 s26, $0x1;
	_ =	strace $0x80000046;
	[dreg:$0x1] =	wrdreg $0xFFFFFFFF  }
0xa7: {  	s28 =	simm.s32 $_size_execute0_lowered;
	s3 =	sadd.s32 s3, s5;
	[dreg:$0x0] =	wrdreg $0x0  }
0xa8: {  	s5 =	sshll.u32 s28, $0x1;
	[dreg:$0x2] =	wrdreg s3  }
0xa9: {  	[dreg:$0x3] =	wrdreg s5  }
0xaa: {  	[dreg:$0x4] =	wrdreg $0xC0  }
0xab: {  	_ =	task [dreg:s7], $0x5FFFF  }
0xac: {  	[dreg:$0x1] =	wrdreg $0xFFFFFFFF  }
0xad: {  	[dreg:$0x0] =	wrdreg $0x60  }
0xae: {  	[dreg:$0x2] =	wrdreg s24  }
0xaf: {  	[dreg:$0x3] =	wrdreg s2  }
0xb0: {  	[dreg:$0x4] =	wrdreg $0x0  }
0xb1: {  	[dreg:$0x5] =	wrdreg $0x9  }
0xb2: {  	_ =	task.clear_ibuf [dreg:s7], $0x6FFFF;
	_ =	strace $0x90000046  }
0xb3: {  	s29 =	simm.s32 $0x9;
	_ =	strace $0x80000048  }
0xb4: {  	_ =	swait.ge [sflag:s29], $0x1  }
0xb5: {  	[sflag:s29] =	ssyncadd.s32 $0xFFFFFFFF  }
0xb6: {  	_ =	strace $0x90000048  }
0xb7: {  	_ =	sfence  }
0xb8: {  	s30 =	sld [smem:$0x0];
	_ =	sdelay $0x2  }
0xb9: {  	s31 =	sshll.u32 s1, $0xD;
	s1 =	sshrl.u32 s1, $0x2  }
0xba: {  	s3 =	sand.u32 $0x4000, s31;
	s1 =	sadd.s32 s1, s30  }
0xbb: {  	s0 =	sor.u32 s3, s0;
	s1 =	sshll.u32 s1, $0x11  }
0xbc: {  	s0 =	sor.u32 s1, s0  }
0xbd: {  	s0 =	sadd.s32 $0x8F2B, s0  }
0xbe: {  	[sflag:s0] =	ssyncadd.remote.s32 $0x1  }
0xbf: {  	_ =	sfence.sel $0xFFFF  }
0xc0: {  	[dreg:$0x0] =	wrdreg $0xFFFFFFFF;
	(pc) =	sbr.abs _section_cstart, $3  }
0xc1: {  	[dreg:$0x1] =	wrdreg $0xFFFFFFFF  }
0xc2: {  	_ =	task.clear_ibuf [dreg:s7], $0x2FFFF;
	_ =	strace $0x9FFFFFFF  }
0xc3: {  	(tm) =	ssettm $0x7FFFFFFF  }
tec
execute0_lowered:
.L_overlay_start_1:
0x0: {  	(tag) =	ssettag $0x1  }
0x1: {  	s6 =	rddreg [dreg:$0x0]  }
0x2: {  	s4 =	rddreg [dreg:$0x1]  }
0x3: {  	s2 =	rddreg [dreg:$0x2];
	s0 =	stileid.u32  }
0x4: {  	s7 =	srdreg.scid;
	s1 =	rddreg [dreg:$0x3]  }
0x5: {  	s3 =	simm.s32 $0x0;
	s12 =	simm.s32 $0x80;
	s15 =	simm.s32 $0x0  }
0x6: {  	s5 =	smul.u32 $0x280, s0;
	s13 =	sand.u32 $0x1, s7;
	[smem:$0x7FF] =	sst s3  }
0x7: {  	s30 =	sshll.u32 s0, $0x6;
	s31 =	smul.u32 $0xA00, s0;
	s11 =	sadd.s32 $0xBE00, s6  }
0x8: {  	s8 =	ssub.s32 $0x2, s13;
	_ =	strace $0x80000047;
	p0 =	sne.s32 s13, $0x0  }
0x9: {  	s13 =	simm.s32 $0x5280;
	s29 =	sshrl.u32 s5, $0x3;
	s10 =	sshrl.u32 s8, $0x1  }
0xa: {  	s14 =	sadd.s32 s5, s2;
	s5 =	sor.u32 $0x1C01, s30;
	s9 =	sadd.s32 s29, s6  }
0xb: {  	s8 =	ssub.s32 s8, s10;
	s4 =	sadd.s32 s4, s29;
	s10 =	sadd.s32 s31, s11  }
0xc: {  	s11 =	simm.s32 $0x280;
	s6 =	sadd.s32 $0x15E00, s9;
	s7 =	smax.u32 s8, $0x1  }
0xd: {  	v0 =	vimm.f32 $1.000000000e+00;
	s8 =	sshrl.u32 s14, $0x3;
	s9 =	simm.s32 $0x1;
	s14 =	sshrl.u32 @!p0 s14, $0x3  }
.LBB2_1:
0xe: {  	[spmem:s8], [sflag:s5] =	dma.local [hbm:s4], $0x50  }
0xf: {  	_ =	swait.ge [sflag:s9], $0x50  }
0x10: {  	[sflag:s9] =	ssyncset.done $0x0  }
0x11: {  	[sflag:s9] =	ssyncadd.s32 $0xFFFFFFB0  }
0x12: {  	[tilespmem:s11], [sflag:$0x1] =	stream.linear.gather [hbm4b:s10+s3], $0x5000, $0x38;
	[tilespmem:$0x5300] =	vst v63  }
0x13: {  	_ =	swait.ge [sflag:s9], $0x5000  }
0x14: {  	[sflag:s9] =	ssyncset.done $0x0  }
0x15: {  	[sflag:s9] =	ssyncadd.s32 $0xFFFFB000  }
0x16: {  	[tilespmem:$0x5280] =	vst v0  }
0x17: {  	[tilespmem:$0x5290] =	vst v0  }
0x18: {  	[tilespmem:$0x52A0] =	vst v0  }
0x19: {  	[tilespmem:$0x52B0] =	vst v0  }
0x1a: {  	[tilespmem:$0x52C0] =	vst v0  }
0x1b: {  	[tilespmem:$0x52D0] =	vst v0  }
0x1c: {  	[tilespmem:$0x52E0] =	vst v0  }
0x1d: {  	[tilespmem:$0x52F0] =	vst v0  }
0x1e: {  	s16 =	simm.s32 $0x280;
	[bflag:$0x0] =	sbarrier.arrive $0xFFFF  }
0x1f: {  	[spmem:s2] =	stream.indirect.scatter.add.f32 [tilespmem:s13], [sflag:$0x1], $0x1, s16, s12, $0xb8;
	[tilespmem:$0x5300] =	vst v63  }
0x20: {  	s16 =	simm.s32 $0x200;
	_ =	swait.ge [sflag:s9], $0x80  }
.LBB2_2:
0x21: {  	s17 =	sshra.s32 s16, $0x2;
	[sflag:s9] =	ssyncset.done $0x0;
	p1 =	sne.s32 s16, $0x13E00  }
.Ltmp0:
0x22: {  	s17 =	sadd.s32 $0x280, s17;
	[sflag:s9] =	ssyncadd.s32 $0xFFFFFF80;
	(pc) =	sbr.rel @p1 .LBB2_2-.Ltmp0, $3  }
0x23: {  	[spmem:s2] =	stream.indirect.scatter.add.f32 [tilespmem:s13], [sflag:$0x1], $0x1, s17, s12, $0xb8;
	[tilespmem:$0x5300] =	vst v63  }
0x24: {  	s16 =	sadd.s32 $0x200, s16;
	_ =	sdelay $0x1  }
0x25: {  	_ =	swait.ge [sflag:s9], $0x80  }
0x26: {  	[sflag:s9] =	ssyncset.done $0x0;
	s15 =	sadd.s32 $0x1, s15  }
0x27: {  	[sflag:s9] =	ssyncadd.s32 $0xFFFFFF80;
	p1 =	sne.s32 s15, s7  }
.Ltmp1:
0x28: {  	s16 =	simm.s32 @!p0 $0x1;
	[bflag:$0x0] =	sbarrier.arrive $0xFFFF;
	(pc) =	sbr.rel @p1 .LBB2_1-.Ltmp1, $4  }
0x29: {  	[hbm:s6], [sflag:s5] =	dma.local @!p0 [spmem:s14], $0x50  }
0x2a: {  	_ =	swait.ge @!p0 [sflag:s16], $0x50  }
0x2b: {  	[sflag:s16] =	ssyncset.done @!p0 $0x0  }
0x2c: {  	[sflag:s16] =	ssyncadd.s32 @!p0 $0xFFFFFFB0  }
0x2d: {  	_ =	sfence.sel $0x180000  }
0x2e: {  	[bflag:$0x0] =	sbarrier.arrive $0xFFFF  }
0x2f: {  	p0 =	sne.s32 s0, $0x0;
	_ =	strace $0x90000047  }
0x30: {  	s0 =	sadd.s32 @!p0 $0x100000, s1;
	[bflag:$0x2] =	sbarrier.arrive $0xFFFF  }
0x31: {  	[sflag:s0] =	ssyncadd.tile.s32 @!p0 $0x1;
	_ =	shalt  }
.Lfunc_end2:
_tile_overlayer_lowered:
.L_overlay_start_2:
0x32: {  	(tag) =	ssettag $0x2  }
0x33: {  	s0 =	rddreg [dreg:$0x0];
	s2 =	stileid.u32  }
0x34: {  	s1 =	rddreg [dreg:$0x1];
	p0 =	sne.s32 s2, $0x0  }
0x35: {  	s3 =	rddreg [dreg:$0x2];
	[bflag:$0x3] =	sbarrier.arrive $0xFFFF;
	s2 =	simm.s32 @!p0 $0x1C01  }
0x36: {  	[timem:s3], [sflag:s2] =	dma.local @!p0 [hbm:s0], s1  }
0x37: {  	s0 =	simm.s32 @!p0 $0x1  }
0x38: {  	_ =	swait.ge @!p0 [sflag:s0], s1  }
0x39: {  	s1 =	ssub.s32 @!p0 $0x0, s1;
	[sflag:s0] =	ssyncset.done @!p0 $0x0  }
0x3a: {  	[sflag:s0] =	ssyncadd.s32 @!p0 s1  }
0x3b: {  	[bflag:$0x3] =	sbarrier.arrive $0xFFFF  }
0x3c: {  	_ =	shalt  }

</sc_bundles>
